<compile_context>
chip_gen: v7x
topology: tpu7x:2x2x1
jax: 0.10.2.dev20260603
libtpu: 0.0.44.dev20260713+nightly
codegen_flags: <defaults>
</compile_context>

<pallas_src>
import jax
import jax.numpy as jnp
from jax import lax
from jax.experimental import pallas as pl
from jax.experimental.pallas import tpu as pltpu
from jax.experimental.pallas import tpu_sc as plsc

_CAP = 1_000_000
_N = 16384
_D = 32
_NC = 2
_NS = 16
_NW = _NC * _NS
_R8 = 31256
_CB = 1024
_SC = 128
_IB = 512
_L = 16


def _lanes():
  return lax.broadcasted_iota(jnp.int32, (_L,), 0)


def _lane0(v):
  return jnp.sum(jnp.where(_lanes() == 0, v, 0))


def _insert_body(mem, idx, val, out, found,
                 sidx, ilist, slist, slot2d, lasti, cbuf, gbuf,
                 sem_in, sem_out, sem_g, sem_s):
  rbuf = cbuf.at[0, pl.ds(0, _SC)]
  wid = lax.axis_index("s") * _NC + lax.axis_index("c")
  base = pl.multiple_of(wid * _R8, 8)
  end = jnp.minimum(base + _R8, _CAP)
  rows = end - base
  lanes = _lanes()

  def cstart(t):
    return pl.multiple_of(base + jnp.minimum(t * _CB, rows - _CB), 8)

  def start_in(t, b):
    pltpu.async_copy(mem.at[pl.ds(cstart(t), _CB)], cbuf.at[b], sem_in)

  def start_out(t, b):
    pltpu.async_copy(cbuf.at[b], out.at[pl.ds(cstart(t), _CB)], sem_out)

  def wait_in():
    pltpu.make_async_copy(mem.at[pl.ds(base, _CB)], cbuf.at[0], sem_in).wait()

  def wait_out():
    pltpu.make_async_copy(cbuf.at[0], out.at[pl.ds(base, _CB)], sem_out).wait()

  nchunks = lax.div(rows + _CB - 1, _CB)
  ngroups = lax.div(nchunks + 1, 2)
  total = ngroups * 2

  start_in(0, 0)

  def copy_body(g, carry):
    for b in range(2):
      c = 2 * g + b
      wait_in()
      start_out(c, b)

      @pl.when(c >= 1)
      def _():
        wait_out()

      @pl.when(c + 1 < total)
      def _():
        start_in(c + 1, (b + 1) % 2)

    return carry

  lax.fori_loop(0, ngroups, copy_body, jnp.int32(0))
  wait_out()

  def blk_body(b, k):
    pltpu.sync_copy(idx.at[pl.ds(b * _IB, _IB)], sidx)

    def v_body(v, k):
      slots = sidx[pl.ds(v * _L, _L)]
      gid = lanes + (b * _IB + v * _L)
      m = (slots >= base) & (slots < end)
      plsc.store_compressed(ilist.at[pl.ds(k, _L)], gid, mask=m)
      plsc.store_compressed(slist.at[pl.ds(k, _L)], slots, mask=m)
      return k + jnp.max(plsc.all_reduce_population_count(m))

    return lax.fori_loop(0, _IB // _L, v_body, k)

  k_tot = lax.fori_loop(0, _N // _IB, blk_body, jnp.int32(0))
  nt = lax.div(k_tot + _L - 1, _L)

  def chunk(t):
    gi = ilist[pl.ds(t * _L, _L)]
    sl = slist[pl.ds(t * _L, _L)]
    valid = lanes < (k_tot - t * _L)
    off = jnp.where(valid, sl - base, 0)
    return gi, sl, off, valid

  def r1_body(t, carry):
    gi, _, off, valid = chunk(t)
    plsc.store_scatter(lasti, [off], gi, mask=valid)
    return carry

  lax.fori_loop(0, nt, r1_body, jnp.int32(0))

  def round_body(_):
    def t_body(t, ch):
      gi, _, off, valid = chunk(t)
      g = plsc.load_gather(lasti, [off], mask=valid)
      imp = valid & (gi > g)
      plsc.store_scatter(lasti, [off], gi, mask=imp)
      return ch | jnp.max(plsc.all_reduce_population_count(imp))

    return lax.fori_loop(0, nt, t_body, jnp.int32(0))

  lax.while_loop(lambda ch: ch != 0, round_body, jnp.int32(1))

  i0 = _lane0(ilist[pl.ds(0, _L)])
  sl0 = slist[pl.ds(0, _L)]
  off0 = jnp.where(lanes == 0, sl0 - base, 0)
  g0 = _lane0(plsc.load_gather(lasti, [off0], mask=(lanes == 0)))

  def fs_body(ci, carry):
    def build(v, carry):
      t = ci * (_SC // _L) + v
      gi, _, off, valid = chunk(t)
      g = plsc.load_gather(lasti, [off], mask=valid)
      gbuf[pl.ds(v * _L, _L)] = jnp.where(valid, g, g0)
      slot2d[0, 0, pl.ds(v * _L, _L)] = jnp.where(valid, gi, i0)
      return carry

    lax.fori_loop(0, _SC // _L, build, jnp.int32(0))
    pltpu.async_copy(val.at[gbuf], rbuf, sem_g).wait()
    pltpu.async_copy(rbuf, found.at[slot2d.at[0, 0]], sem_s).wait()
    return carry

  lax.fori_loop(0, lax.div(k_tot + _SC - 1, _SC), fs_body, jnp.int32(0))

  def wc_body(t, kw):
    gi, sl, off, valid = chunk(t)
    g = plsc.load_gather(lasti, [off], mask=valid)
    win = valid & (g == gi)
    plsc.store_compressed(ilist.at[pl.ds(kw, _L)], gi, mask=win)
    plsc.store_compressed(slist.at[pl.ds(kw, _L)], sl, mask=win)
    return kw + jnp.max(plsc.all_reduce_population_count(win))

  kw = lax.fori_loop(0, nt, wc_body, jnp.int32(0))
  kwp = lax.div(kw + _SC - 1, _SC) * _SC

  pad_i = _lane0(ilist[pl.ds(0, _L)])
  pad_s = _lane0(slist[pl.ds(0, _L)])

  def pad_body(t, carry):
    pos = t * _L + lanes
    keep = pos < kw
    cur_i = ilist[pl.ds(t * _L, _L)]
    cur_s = slist[pl.ds(t * _L, _L)]
    ilist[pl.ds(t * _L, _L)] = jnp.where(keep, cur_i, pad_i)
    slist[pl.ds(t * _L, _L)] = jnp.where(keep, cur_s, pad_s)
    return carry

  lax.fori_loop(lax.div(kw, _L), lax.div(kwp + _L - 1, _L), pad_body,
                jnp.int32(0))

  def st_body(ci, carry):
    def build(v, carry):
      q = ci * (_SC // _L) + v
      slot2d[0, 0, pl.ds(v * _L, _L)] = slist[pl.ds(q * _L, _L)]
      return carry

    lax.fori_loop(0, _SC // _L, build, jnp.int32(0))
    pltpu.async_copy(val.at[ilist.at[pl.ds(ci * _SC, _SC)]], rbuf, sem_g).wait()
    pltpu.async_copy(rbuf, out.at[slot2d.at[0, 0]], sem_s).wait()
    return carry

  lax.fori_loop(0, lax.div(kwp, _SC), st_body, jnp.int32(0))


def _mesh():
  return plsc.VectorSubcoreMesh(core_axis_name="c", subcore_axis_name="s",
                                num_cores=_NC, num_subcores=_NS)


_insert = pl.kernel(
    _insert_body,
    out_type=(jax.ShapeDtypeStruct((_CAP, _D), jnp.float32),
              jax.ShapeDtypeStruct((_N, _D), jnp.float32)),
    mesh=_mesh(),
    compiler_params=pltpu.CompilerParams(
        needs_layout_passes=False, use_tc_tiling_on_sc=False),
    scratch_types=[
        pltpu.VMEM((_IB,), jnp.int32),
        pltpu.VMEM((_N + _L,), jnp.int32),
        pltpu.VMEM((_N + _L,), jnp.int32),
        pltpu.VMEM((1, 1, _SC), jnp.int32),
        pltpu.VMEM((_R8,), jnp.int32),
        pltpu.VMEM((2, _CB, _D), jnp.float32),
        pltpu.VMEM((_SC,), jnp.int32),
        pltpu.SemaphoreType.DMA,
        pltpu.SemaphoreType.DMA,
        pltpu.SemaphoreType.DMA,
        pltpu.SemaphoreType.DMA,
    ],
)

def kernel(mem, idx, val):
  mem_updated, found = _insert(mem, idx, val)
  masks = jnp.ones((_N,), dtype=jnp.bool_)
  return (found, mem_updated, masks)

# --- scband reference (transcript-rebuilt; emitter-appended) ---
"""Pipeline reference for scband-ashengine-72696616452531 (READ-ONLY COPY).

The authoritative reference and input builder live on the scoring server;
editing this copy changes nothing except your own understanding.
"""

import jax, jax.numpy as jnp
import numpy as np

CAPACITY = 1000000
N = 16384
VAL_DIM = 32

def setup_inputs(seed: int = 0) -> dict:
    key = jax.random.key(seed)
    k1, k2, k3 = jax.random.split(key, 3)
    # external_values table maintained alongside the hash map (capacity rows)
    mem = jax.random.normal(k1, (CAPACITY, VAL_DIM), dtype=jnp.float32)
    # slot indices assigned by the hash-map backend for the inserted keys
    idx = jax.random.randint(k2, (N,), 0, CAPACITY, dtype=jnp.int32)
    # values to insert for this batch of keys
    val = jax.random.normal(k3, (N, VAL_DIM), dtype=jnp.float32)
    return {"mem": mem, "idx": idx, "val": val}

def reference(mem, idx, val):
    # ASHEngine.insert: the backend assigns each key a slot index (idx) and the
    # user-maintained external_values buffer is written at those slots
    # (scatter-overwrite, last-write-wins semantics on duplicates).
    mem_updated = mem.at[idx].set(val)
    # ASHEngine.find: look up the same keys, returning their slot indices and
    # masks; the caller then gathers the associated external values.
    masks = jnp.ones(idx.shape, dtype=jnp.bool_)
    found = jnp.take(mem_updated, idx, axis=0)
    return (found, mem_updated, masks)

if __name__ == "__main__":
    import jax
    _d = setup_inputs()
    print(jax.jit(kernel)(*tuple(_d.values())))

</pallas_src>

<mosaic_0001>
#map = affine_map<(d0, d1) -> (0, 0)>
#map1 = affine_map<(d0, d1) -> (0)>
module attributes {stable_mosaic.version = 14 : i64} {
  func.func @_insert_body(%arg0: i32, %arg1: i32, %arg2: memref<1000000x32xf32, #tpu.memory_space<hbm>>, %arg3: memref<16384xi32, #tpu.memory_space<hbm>>, %arg4: memref<16384x32xf32, #tpu.memory_space<hbm>>, %arg5: memref<1000000x32xf32, #tpu.memory_space<hbm>>, %arg6: memref<16384x32xf32, #tpu.memory_space<hbm>>, %arg7: memref<512xi32, #tpu.memory_space<vmem>>, %arg8: memref<16400xi32, #tpu.memory_space<vmem>>, %arg9: memref<16400xi32, #tpu.memory_space<vmem>>, %arg10: memref<1x1x128xi32, #tpu.memory_space<vmem>>, %arg11: memref<31256xi32, #tpu.memory_space<vmem>>, %arg12: memref<2x1024x32xf32, #tpu.memory_space<vmem>>, %arg13: memref<128xi32, #tpu.memory_space<vmem>>, %arg14: memref<!tpu.dma_semaphore, #tpu.memory_space<semaphore_mem>>, %arg15: memref<!tpu.dma_semaphore, #tpu.memory_space<semaphore_mem>>, %arg16: memref<!tpu.dma_semaphore, #tpu.memory_space<semaphore_mem>>, %arg17: memref<!tpu.dma_semaphore, #tpu.memory_space<semaphore_mem>>) attributes {dimension_semantics = [#tpu.dimension_semantics<core_parallel>, #tpu.dimension_semantics<subcore_parallel>], iteration_bounds = array<i64: 2, 16>, scalar_prefetch = 0 : i64, scratch_operands = 11 : i64, tpu.core_type = #tpu.core_type<sc_vector_subcore>, window_params = [{transform_indices = #map}, {transform_indices = #map1}, {transform_indices = #map}, {transform_indices = #map}, {transform_indices = #map}]} {
    %mul3A = arith.constant 2 : i32
    %mul3A_0 = arith.muli %arg1, %mul3A : i32
    %add3A = arith.addi %mul3A_0, %arg0 : i32
    %mul3A_1 = arith.constant 31256 : i32
    %mul3A_2 = arith.muli %add3A, %mul3A_1 : i32
    %multiple_of3A = tpu.assume_multiple %mul3A_2, 8 : i32
    %add3A_3 = arith.constant 31256 : i32
    %add3A_4 = arith.addi %multiple_of3A, %add3A_3 : i32
    %min3A = arith.constant 1000000 : i32
    %min3A_5 = arith.minsi %add3A_4, %min3A : i32
    %sub3A = arith.subi %min3A_5, %multiple_of3A : i32
    %iota3A = tpu.iota {dimensions = array<i32: 0>} : vector<16xi32>
    %add3A_6 = arith.constant 1024 : i32
    %add3A_7 = arith.addi %sub3A, %add3A_6 : i32
    %sub3A_8 = arith.constant 1 : i32
    %sub3A_9 = arith.subi %add3A_7, %sub3A_8 : i32
    %div3A = arith.constant 1024 : i32
    %div3A_10 = arith.divsi %sub3A_9, %div3A : i32
    %add3A_11 = arith.constant 1 : i32
    %add3A_12 = arith.addi %div3A_10, %add3A_11 : i32
    %div3A_13 = arith.constant 2 : i32
    %div3A_14 = arith.divsi %add3A_12, %div3A_13 : i32
    %mul3A_15 = arith.constant 2 : i32
    %mul3A_16 = arith.muli %div3A_14, %mul3A_15 : i32
    %sub3A_17 = arith.constant 1024 : i32
    %sub3A_18 = arith.subi %sub3A, %sub3A_17 : i32
    %min3A_19 = arith.constant 0 : i32
    %min3A_20 = arith.minsi %min3A_19, %sub3A_18 : i32
    %add3A_21 = arith.addi %multiple_of3A, %min3A_20 : i32
    %multiple_of3A_22 = tpu.assume_multiple %add3A_21, 8 : i32
    %dma_start3A = arith.constant 0 : i32
    %dma_start3A_23 = arith.constant 0 : i32
    %dma_start3A_24 = arith.constant 0 : i32
    %dma_start3A_25 = tpu.memref_slice %arg12[%dma_start3A, %dma_start3A_23, %dma_start3A_24] : memref<2x1024x32xf32, #tpu.memory_space<vmem>> -> memref<1x1024x32xf32, #tpu.memory_space<vmem>>
    %dma_start3A_26 = tpu.memref_squeeze %dma_start3A_25 : memref<1x1024x32xf32, #tpu.memory_space<vmem>> -> memref<1024x32xf32, #tpu.memory_space<vmem>>
    %dma_start3A_27 = arith.constant 0 : i32
    %dma_start3A_28 = tpu.memref_slice %arg2[%multiple_of3A_22, %dma_start3A_27] : memref<1000000x32xf32, #tpu.memory_space<hbm>> -> memref<1024x32xf32, #tpu.memory_space<hbm>>
    %dma_start3A_29 = arith.constant 0 : i32
    %dma_start3A_30 = arith.constant 0 : i32
    %dma_start3A_31 = tpu.memref_slice %arg12[%dma_start3A, %dma_start3A_29, %dma_start3A_30] : memref<2x1024x32xf32, #tpu.memory_space<vmem>> -> memref<1x1024x32xf32, #tpu.memory_space<vmem>>
    %dma_start3A_32 = tpu.memref_squeeze %dma_start3A_31 : memref<1x1024x32xf32, #tpu.memory_space<vmem>> -> memref<1024x32xf32, #tpu.memory_space<vmem>>
    %dma_start3A_33 = arith.constant 0 : i32
    %dma_start3A_34 = tpu.memref_slice %arg2[%multiple_of3A_22, %dma_start3A_33] : memref<1000000x32xf32, #tpu.memory_space<hbm>> -> memref<1024x32xf32, #tpu.memory_space<hbm>>
    tpu.enqueue_dma source(%dma_start3A_34 : memref<1024x32xf32, #tpu.memory_space<hbm>>) target(%dma_start3A_32 : memref<1024x32xf32, #tpu.memory_space<vmem>>) target_semaphore(%arg14 : memref<!tpu.dma_semaphore, #tpu.memory_space<semaphore_mem>>)
    %while3A = arith.constant 0 : i32
    %while3A_35 = arith.constant 0 : i32
    %while3A_36 = arith.subi %div3A_14, %while3A_35 : i32
    %while3A_37 = arith.addi %while3A_35, %while3A_36 : i32
    %while3A_38 = arith.constant 1 : i32
    %while3A_39 = arith.divsi %while3A_36, %while3A_38 : i32
    %while3A_40 = arith.muli %while3A_39, %while3A_38 : i32
    %while3A_41 = arith.addi %while3A_35, %while3A_40 : i32
    %while3A_42 = arith.constant 1 : i32
    scf.for %while3A_204 = %while3A_35 to %while3A_41 step %while3A_42  : i32 {
      %mul3A_205 = arith.constant 2 : i32
      %mul3A_206 = arith.muli %mul3A_205, %while3A_204 : i32
      %add3A_207 = arith.constant 0 : i32
      %add3A_208 = arith.addi %mul3A_206, %add3A_207 : i32
      %dma_wait3A_209 = arith.constant 0 : i32
      %dma_wait3A_210 = arith.constant 0 : i32
      %dma_wait3A_211 = arith.constant 0 : i32
      %dma_wait3A_212 = tpu.memref_slice %arg12[%dma_wait3A_209, %dma_wait3A_210, %dma_wait3A_211] : memref<2x1024x32xf32, #tpu.memory_space<vmem>> -> memref<1x1024x32xf32, #tpu.memory_space<vmem>>
      %dma_wait3A_213 = tpu.memref_squeeze %dma_wait3A_212 : memref<1x1024x32xf32, #tpu.memory_space<vmem>> -> memref<1024x32xf32, #tpu.memory_space<vmem>>
      %dma_wait3A_214 = arith.constant 0 : i32
      %dma_wait3A_215 = tpu.memref_slice %arg2[%multiple_of3A, %dma_wait3A_214] : memref<1000000x32xf32, #tpu.memory_space<hbm>> -> memref<1024x32xf32, #tpu.memory_space<hbm>>
      %dma_wait3A_216 = arith.constant 0 : i32
      %dma_wait3A_217 = arith.constant 0 : i32
      %dma_wait3A_218 = tpu.memref_slice %arg12[%dma_wait3A_209, %dma_wait3A_216, %dma_wait3A_217] : memref<2x1024x32xf32, #tpu.memory_space<vmem>> -> memref<1x1024x32xf32, #tpu.memory_space<vmem>>
      %dma_wait3A_219 = tpu.memref_squeeze %dma_wait3A_218 : memref<1x1024x32xf32, #tpu.memory_space<vmem>> -> memref<1024x32xf32, #tpu.memory_space<vmem>>
      %dma_wait3A_220 = arith.constant 0 : i32
      %dma_wait3A_221 = tpu.memref_slice %arg2[%multiple_of3A, %dma_wait3A_220] : memref<1000000x32xf32, #tpu.memory_space<hbm>> -> memref<1024x32xf32, #tpu.memory_space<hbm>>
      tpu.wait_dma2 semaphore(%arg14 : memref<!tpu.dma_semaphore, #tpu.memory_space<semaphore_mem>>) src(%dma_wait3A_221 : memref<1024x32xf32, #tpu.memory_space<hbm>>) dst(%dma_wait3A_219 : memref<1024x32xf32, #tpu.memory_space<vmem>>)
      %mul3A_222 = arith.constant 1024 : i32
      %mul3A_223 = arith.muli %add3A_208, %mul3A_222 : i32
      %sub3A_224 = arith.constant 1024 : i32
      %sub3A_225 = arith.subi %sub3A, %sub3A_224 : i32
      %min3A_226 = arith.minsi %mul3A_223, %sub3A_225 : i32
      %add3A_227 = arith.addi %multiple_of3A, %min3A_226 : i32
      %multiple_of3A_228 = tpu.assume_multiple %add3A_227, 8 : i32
      %dma_start3A_229 = arith.constant 0 : i32
      %dma_start3A_230 = arith.constant 0 : i32
      %dma_start3A_231 = arith.constant 0 : i32
      %dma_start3A_232 = tpu.memref_slice %arg12[%dma_start3A_229, %dma_start3A_230, %dma_start3A_231] : memref<2x1024x32xf32, #tpu.memory_space<vmem>> -> memref<1x1024x32xf32, #tpu.memory_space<vmem>>
      %dma_start3A_233 = tpu.memref_squeeze %dma_start3A_232 : memref<1x1024x32xf32, #tpu.memory_space<vmem>> -> memref<1024x32xf32, #tpu.memory_space<vmem>>
      %dma_start3A_234 = arith.constant 0 : i32
      %dma_start3A_235 = tpu.memref_slice %arg5[%multiple_of3A_228, %dma_start3A_234] : memref<1000000x32xf32, #tpu.memory_space<hbm>> -> memref<1024x32xf32, #tpu.memory_space<hbm>>
      %dma_start3A_236 = arith.constant 0 : i32
      %dma_start3A_237 = tpu.memref_slice %arg5[%multiple_of3A_228, %dma_start3A_236] : memref<1000000x32xf32, #tpu.memory_space<hbm>> -> memref<1024x32xf32, #tpu.memory_space<hbm>>
      %dma_start3A_238 = arith.constant 0 : i32
      %dma_start3A_239 = arith.constant 0 : i32
      %dma_start3A_240 = tpu.memref_slice %arg12[%dma_start3A_229, %dma_start3A_238, %dma_start3A_239] : memref<2x1024x32xf32, #tpu.memory_space<vmem>> -> memref<1x1024x32xf32, #tpu.memory_space<vmem>>
      %dma_start3A_241 = tpu.memref_squeeze %dma_start3A_240 : memref<1x1024x32xf32, #tpu.memory_space<vmem>> -> memref<1024x32xf32, #tpu.memory_space<vmem>>
      tpu.enqueue_dma source(%dma_start3A_241 : memref<1024x32xf32, #tpu.memory_space<vmem>>) target(%dma_start3A_237 : memref<1024x32xf32, #tpu.memory_space<hbm>>) target_semaphore(%arg15 : memref<!tpu.dma_semaphore, #tpu.memory_space<semaphore_mem>>)
      %ge3A = arith.constant 1 : i32
      %ge3A_242 = arith.cmpi sge, %add3A_208, %ge3A : i32
      %convert_element_type3A = arith.extui %ge3A_242 : i1 to i32
      %cond3A = arith.constant 0 : i32
      %cond3A_243 = arith.cmpi ne, %convert_element_type3A, %cond3A : i32
      scf.if %cond3A_243 {
        %dma_wait3A_297 = arith.constant 0 : i32
        %dma_wait3A_298 = arith.constant 0 : i32
        %dma_wait3A_299 = arith.constant 0 : i32
        %dma_wait3A_300 = tpu.memref_slice %arg12[%dma_wait3A_297, %dma_wait3A_298, %dma_wait3A_299] : memref<2x1024x32xf32, #tpu.memory_space<vmem>> -> memref<1x1024x32xf32, #tpu.memory_space<vmem>>
        %dma_wait3A_301 = tpu.memref_squeeze %dma_wait3A_300 : memref<1x1024x32xf32, #tpu.memory_space<vmem>> -> memref<1024x32xf32, #tpu.memory_space<vmem>>
        %dma_wait3A_302 = arith.constant 0 : i32
        %dma_wait3A_303 = tpu.memref_slice %arg5[%multiple_of3A, %dma_wait3A_302] : memref<1000000x32xf32, #tpu.memory_space<hbm>> -> memref<1024x32xf32, #tpu.memory_space<hbm>>
        %dma_wait3A_304 = arith.constant 0 : i32
        %dma_wait3A_305 = tpu.memref_slice %arg5[%multiple_of3A, %dma_wait3A_304] : memref<1000000x32xf32, #tpu.memory_space<hbm>> -> memref<1024x32xf32, #tpu.memory_space<hbm>>
        %dma_wait3A_306 = arith.constant 0 : i32
        %dma_wait3A_307 = arith.constant 0 : i32
        %dma_wait3A_308 = tpu.memref_slice %arg12[%dma_wait3A_297, %dma_wait3A_306, %dma_wait3A_307] : memref<2x1024x32xf32, #tpu.memory_space<vmem>> -> memref<1x1024x32xf32, #tpu.memory_space<vmem>>
        %dma_wait3A_309 = tpu.memref_squeeze %dma_wait3A_308 : memref<1x1024x32xf32, #tpu.memory_space<vmem>> -> memref<1024x32xf32, #tpu.memory_space<vmem>>
        tpu.wait_dma2 semaphore(%arg15 : memref<!tpu.dma_semaphore, #tpu.memory_space<semaphore_mem>>) src(%dma_wait3A_309 : memref<1024x32xf32, #tpu.memory_space<vmem>>) dst(%dma_wait3A_305 : memref<1024x32xf32, #tpu.memory_space<hbm>>)
      } else {
      }
      %add3A_244 = arith.constant 1 : i32
      %add3A_245 = arith.addi %add3A_208, %add3A_244 : i32
      %lt3A = arith.cmpi slt, %add3A_245, %mul3A_16 : i32
      %convert_element_type3A_246 = arith.extui %lt3A : i1 to i32
      %cond3A_247 = arith.constant 0 : i32
      %cond3A_248 = arith.cmpi ne, %convert_element_type3A_246, %cond3A_247 : i32
      scf.if %cond3A_248 {
        %add3A_297 = arith.constant 1 : i32
        %add3A_298 = arith.addi %add3A_208, %add3A_297 : i32
        %mul3A_299 = arith.constant 1024 : i32
        %mul3A_300 = arith.muli %add3A_298, %mul3A_299 : i32
        %sub3A_301 = arith.constant 1024 : i32
        %sub3A_302 = arith.subi %sub3A, %sub3A_301 : i32
        %min3A_303 = arith.minsi %mul3A_300, %sub3A_302 : i32
        %add3A_304 = arith.addi %multiple_of3A, %min3A_303 : i32
        %multiple_of3A_305 = tpu.assume_multiple %add3A_304, 8 : i32
        %dma_start3A_306 = arith.constant 1 : i32
        %dma_start3A_307 = arith.constant 0 : i32
        %dma_start3A_308 = arith.constant 0 : i32
        %dma_start3A_309 = tpu.memref_slice %arg12[%dma_start3A_306, %dma_start3A_307, %dma_start3A_308] : memref<2x1024x32xf32, #tpu.memory_space<vmem>> -> memref<1x1024x32xf32, #tpu.memory_space<vmem>>
        %dma_start3A_310 = tpu.memref_squeeze %dma_start3A_309 : memref<1x1024x32xf32, #tpu.memory_space<vmem>> -> memref<1024x32xf32, #tpu.memory_space<vmem>>
        %dma_start3A_311 = arith.constant 0 : i32
        %dma_start3A_312 = tpu.memref_slice %arg2[%multiple_of3A_305, %dma_start3A_311] : memref<1000000x32xf32, #tpu.memory_space<hbm>> -> memref<1024x32xf32, #tpu.memory_space<hbm>>
        %dma_start3A_313 = arith.constant 0 : i32
        %dma_start3A_314 = arith.constant 0 : i32
        %dma_start3A_315 = tpu.memref_slice %arg12[%dma_start3A_306, %dma_start3A_313, %dma_start3A_314] : memref<2x1024x32xf32, #tpu.memory_space<vmem>> -> memref<1x1024x32xf32, #tpu.memory_space<vmem>>
        %dma_start3A_316 = tpu.memref_squeeze %dma_start3A_315 : memref<1x1024x32xf32, #tpu.memory_space<vmem>> -> memref<1024x32xf32, #tpu.memory_space<vmem>>
        %dma_start3A_317 = arith.constant 0 : i32
        %dma_start3A_318 = tpu.memref_slice %arg2[%multiple_of3A_305, %dma_start3A_317] : memref<1000000x32xf32, #tpu.memory_space<hbm>> -> memref<1024x32xf32, #tpu.memory_space<hbm>>
        tpu.enqueue_dma source(%dma_start3A_318 : memref<1024x32xf32, #tpu.memory_space<hbm>>) target(%dma_start3A_316 : memref<1024x32xf32, #tpu.memory_space<vmem>>) target_semaphore(%arg14 : memref<!tpu.dma_semaphore, #tpu.memory_space<semaphore_mem>>)
      } else {
      }
      %mul3A_249 = arith.constant 2 : i32
      %mul3A_250 = arith.muli %mul3A_249, %while3A_204 : i32
      %add3A_251 = arith.constant 1 : i32
      %add3A_252 = arith.addi %mul3A_250, %add3A_251 : i32
      %dma_wait3A_253 = arith.constant 0 : i32
      %dma_wait3A_254 = arith.constant 0 : i32
      %dma_wait3A_255 = arith.constant 0 : i32
      %dma_wait3A_256 = tpu.memref_slice %arg12[%dma_wait3A_253, %dma_wait3A_254, %dma_wait3A_255] : memref<2x1024x32xf32, #tpu.memory_space<vmem>> -> memref<1x1024x32xf32, #tpu.memory_space<vmem>>
      %dma_wait3A_257 = tpu.memref_squeeze %dma_wait3A_256 : memref<1x1024x32xf32, #tpu.memory_space<vmem>> -> memref<1024x32xf32, #tpu.memory_space<vmem>>
      %dma_wait3A_258 = arith.constant 0 : i32
      %dma_wait3A_259 = tpu.memref_slice %arg2[%multiple_of3A, %dma_wait3A_258] : memref<1000000x32xf32, #tpu.memory_space<hbm>> -> memref<1024x32xf32, #tpu.memory_space<hbm>>
      %dma_wait3A_260 = arith.constant 0 : i32
      %dma_wait3A_261 = arith.constant 0 : i32
      %dma_wait3A_262 = tpu.memref_slice %arg12[%dma_wait3A_253, %dma_wait3A_260, %dma_wait3A_261] : memref<2x1024x32xf32, #tpu.memory_space<vmem>> -> memref<1x1024x32xf32, #tpu.memory_space<vmem>>
      %dma_wait3A_263 = tpu.memref_squeeze %dma_wait3A_262 : memref<1x1024x32xf32, #tpu.memory_space<vmem>> -> memref<1024x32xf32, #tpu.memory_space<vmem>>
      %dma_wait3A_264 = arith.constant 0 : i32
      %dma_wait3A_265 = tpu.memref_slice %arg2[%multiple_of3A, %dma_wait3A_264] : memref<1000000x32xf32, #tpu.memory_space<hbm>> -> memref<1024x32xf32, #tpu.memory_space<hbm>>
      tpu.wait_dma2 semaphore(%arg14 : memref<!tpu.dma_semaphore, #tpu.memory_space<semaphore_mem>>) src(%dma_wait3A_265 : memref<1024x32xf32, #tpu.memory_space<hbm>>) dst(%dma_wait3A_263 : memref<1024x32xf32, #tpu.memory_space<vmem>>)
      %mul3A_266 = arith.constant 1024 : i32
      %mul3A_267 = arith.muli %add3A_252, %mul3A_266 : i32
      %sub3A_268 = arith.constant 1024 : i32
      %sub3A_269 = arith.subi %sub3A, %sub3A_268 : i32
      %min3A_270 = arith.minsi %mul3A_267, %sub3A_269 : i32
      %add3A_271 = arith.addi %multiple_of3A, %min3A_270 : i32
      %multiple_of3A_272 = tpu.assume_multiple %add3A_271, 8 : i32
      %dma_start3A_273 = arith.constant 1 : i32
      %dma_start3A_274 = arith.constant 0 : i32
      %dma_start3A_275 = arith.constant 0 : i32
      %dma_start3A_276 = tpu.memref_slice %arg12[%dma_start3A_273, %dma_start3A_274, %dma_start3A_275] : memref<2x1024x32xf32, #tpu.memory_space<vmem>> -> memref<1x1024x32xf32, #tpu.memory_space<vmem>>
      %dma_start3A_277 = tpu.memref_squeeze %dma_start3A_276 : memref<1x1024x32xf32, #tpu.memory_space<vmem>> -> memref<1024x32xf32, #tpu.memory_space<vmem>>
      %dma_start3A_278 = arith.constant 0 : i32
      %dma_start3A_279 = tpu.memref_slice %arg5[%multiple_of3A_272, %dma_start3A_278] : memref<1000000x32xf32, #tpu.memory_space<hbm>> -> memref<1024x32xf32, #tpu.memory_space<hbm>>
      %dma_start3A_280 = arith.constant 0 : i32
      %dma_start3A_281 = tpu.memref_slice %arg5[%multiple_of3A_272, %dma_start3A_280] : memref<1000000x32xf32, #tpu.memory_space<hbm>> -> memref<1024x32xf32, #tpu.memory_space<hbm>>
      %dma_start3A_282 = arith.constant 0 : i32
      %dma_start3A_283 = arith.constant 0 : i32
      %dma_start3A_284 = tpu.memref_slice %arg12[%dma_start3A_273, %dma_start3A_282, %dma_start3A_283] : memref<2x1024x32xf32, #tpu.memory_space<vmem>> -> memref<1x1024x32xf32, #tpu.memory_space<vmem>>
      %dma_start3A_285 = tpu.memref_squeeze %dma_start3A_284 : memref<1x1024x32xf32, #tpu.memory_space<vmem>> -> memref<1024x32xf32, #tpu.memory_space<vmem>>
      tpu.enqueue_dma source(%dma_start3A_285 : memref<1024x32xf32, #tpu.memory_space<vmem>>) target(%dma_start3A_281 : memref<1024x32xf32, #tpu.memory_space<hbm>>) target_semaphore(%arg15 : memref<!tpu.dma_semaphore, #tpu.memory_space<semaphore_mem>>)
      %ge3A_286 = arith.constant 1 : i32
      %ge3A_287 = arith.cmpi sge, %add3A_252, %ge3A_286 : i32
      %convert_element_type3A_288 = arith.extui %ge3A_287 : i1 to i32
      %cond3A_289 = arith.constant 0 : i32
      %cond3A_290 = arith.cmpi ne, %convert_element_type3A_288, %cond3A_289 : i32
      scf.if %cond3A_290 {
        %dma_wait3A_297 = arith.constant 0 : i32
        %dma_wait3A_298 = arith.constant 0 : i32
        %dma_wait3A_299 = arith.constant 0 : i32
        %dma_wait3A_300 = tpu.memref_slice %arg12[%dma_wait3A_297, %dma_wait3A_298, %dma_wait3A_299] : memref<2x1024x32xf32, #tpu.memory_space<vmem>> -> memref<1x1024x32xf32, #tpu.memory_space<vmem>>
        %dma_wait3A_301 = tpu.memref_squeeze %dma_wait3A_300 : memref<1x1024x32xf32, #tpu.memory_space<vmem>> -> memref<1024x32xf32, #tpu.memory_space<vmem>>
        %dma_wait3A_302 = arith.constant 0 : i32
        %dma_wait3A_303 = tpu.memref_slice %arg5[%multiple_of3A, %dma_wait3A_302] : memref<1000000x32xf32, #tpu.memory_space<hbm>> -> memref<1024x32xf32, #tpu.memory_space<hbm>>
        %dma_wait3A_304 = arith.constant 0 : i32
        %dma_wait3A_305 = tpu.memref_slice %arg5[%multiple_of3A, %dma_wait3A_304] : memref<1000000x32xf32, #tpu.memory_space<hbm>> -> memref<1024x32xf32, #tpu.memory_space<hbm>>
        %dma_wait3A_306 = arith.constant 0 : i32
        %dma_wait3A_307 = arith.constant 0 : i32
        %dma_wait3A_308 = tpu.memref_slice %arg12[%dma_wait3A_297, %dma_wait3A_306, %dma_wait3A_307] : memref<2x1024x32xf32, #tpu.memory_space<vmem>> -> memref<1x1024x32xf32, #tpu.memory_space<vmem>>
        %dma_wait3A_309 = tpu.memref_squeeze %dma_wait3A_308 : memref<1x1024x32xf32, #tpu.memory_space<vmem>> -> memref<1024x32xf32, #tpu.memory_space<vmem>>
        tpu.wait_dma2 semaphore(%arg15 : memref<!tpu.dma_semaphore, #tpu.memory_space<semaphore_mem>>) src(%dma_wait3A_309 : memref<1024x32xf32, #tpu.memory_space<vmem>>) dst(%dma_wait3A_305 : memref<1024x32xf32, #tpu.memory_space<hbm>>)
      } else {
      }
      %add3A_291 = arith.constant 1 : i32
      %add3A_292 = arith.addi %add3A_252, %add3A_291 : i32
      %lt3A_293 = arith.cmpi slt, %add3A_292, %mul3A_16 : i32
      %convert_element_type3A_294 = arith.extui %lt3A_293 : i1 to i32
      %cond3A_295 = arith.constant 0 : i32
      %cond3A_296 = arith.cmpi ne, %convert_element_type3A_294, %cond3A_295 : i32
      scf.if %cond3A_296 {
        %add3A_297 = arith.constant 1 : i32
        %add3A_298 = arith.addi %add3A_252, %add3A_297 : i32
        %mul3A_299 = arith.constant 1024 : i32
        %mul3A_300 = arith.muli %add3A_298, %mul3A_299 : i32
        %sub3A_301 = arith.constant 1024 : i32
        %sub3A_302 = arith.subi %sub3A, %sub3A_301 : i32
        %min3A_303 = arith.minsi %mul3A_300, %sub3A_302 : i32
        %add3A_304 = arith.addi %multiple_of3A, %min3A_303 : i32
        %multiple_of3A_305 = tpu.assume_multiple %add3A_304, 8 : i32
        %dma_start3A_306 = arith.constant 0 : i32
        %dma_start3A_307 = arith.constant 0 : i32
        %dma_start3A_308 = arith.constant 0 : i32
        %dma_start3A_309 = tpu.memref_slice %arg12[%dma_start3A_306, %dma_start3A_307, %dma_start3A_308] : memref<2x1024x32xf32, #tpu.memory_space<vmem>> -> memref<1x1024x32xf32, #tpu.memory_space<vmem>>
        %dma_start3A_310 = tpu.memref_squeeze %dma_start3A_309 : memref<1x1024x32xf32, #tpu.memory_space<vmem>> -> memref<1024x32xf32, #tpu.memory_space<vmem>>
        %dma_start3A_311 = arith.constant 0 : i32
        %dma_start3A_312 = tpu.memref_slice %arg2[%multiple_of3A_305, %dma_start3A_311] : memref<1000000x32xf32, #tpu.memory_space<hbm>> -> memref<1024x32xf32, #tpu.memory_space<hbm>>
        %dma_start3A_313 = arith.constant 0 : i32
        %dma_start3A_314 = arith.constant 0 : i32
        %dma_start3A_315 = tpu.memref_slice %arg12[%dma_start3A_306, %dma_start3A_313, %dma_start3A_314] : memref<2x1024x32xf32, #tpu.memory_space<vmem>> -> memref<1x1024x32xf32, #tpu.memory_space<vmem>>
        %dma_start3A_316 = tpu.memref_squeeze %dma_start3A_315 : memref<1x1024x32xf32, #tpu.memory_space<vmem>> -> memref<1024x32xf32, #tpu.memory_space<vmem>>
        %dma_start3A_317 = arith.constant 0 : i32
        %dma_start3A_318 = tpu.memref_slice %arg2[%multiple_of3A_305, %dma_start3A_317] : memref<1000000x32xf32, #tpu.memory_space<hbm>> -> memref<1024x32xf32, #tpu.memory_space<hbm>>
        tpu.enqueue_dma source(%dma_start3A_318 : memref<1024x32xf32, #tpu.memory_space<hbm>>) target(%dma_start3A_316 : memref<1024x32xf32, #tpu.memory_space<vmem>>) target_semaphore(%arg14 : memref<!tpu.dma_semaphore, #tpu.memory_space<semaphore_mem>>)
      } else {
      }
    }
    %while3A_43 = arith.constant 1 : i32
    scf.for %while3A_204 = %while3A_41 to %while3A_37 step %while3A_43  : i32 {
      %mul3A_205 = arith.constant 2 : i32
      %mul3A_206 = arith.muli %mul3A_205, %while3A_204 : i32
      %add3A_207 = arith.constant 0 : i32
      %add3A_208 = arith.addi %mul3A_206, %add3A_207 : i32
      %dma_wait3A_209 = arith.constant 0 : i32
      %dma_wait3A_210 = arith.constant 0 : i32
      %dma_wait3A_211 = arith.constant 0 : i32
      %dma_wait3A_212 = tpu.memref_slice %arg12[%dma_wait3A_209, %dma_wait3A_210, %dma_wait3A_211] : memref<2x1024x32xf32, #tpu.memory_space<vmem>> -> memref<1x1024x32xf32, #tpu.memory_space<vmem>>
      %dma_wait3A_213 = tpu.memref_squeeze %dma_wait3A_212 : memref<1x1024x32xf32, #tpu.memory_space<vmem>> -> memref<1024x32xf32, #tpu.memory_space<vmem>>
      %dma_wait3A_214 = arith.constant 0 : i32
      %dma_wait3A_215 = tpu.memref_slice %arg2[%multiple_of3A, %dma_wait3A_214] : memref<1000000x32xf32, #tpu.memory_space<hbm>> -> memref<1024x32xf32, #tpu.memory_space<hbm>>
      %dma_wait3A_216 = arith.constant 0 : i32
      %dma_wait3A_217 = arith.constant 0 : i32
      %dma_wait3A_218 = tpu.memref_slice %arg12[%dma_wait3A_209, %dma_wait3A_216, %dma_wait3A_217] : memref<2x1024x32xf32, #tpu.memory_space<vmem>> -> memref<1x1024x32xf32, #tpu.memory_space<vmem>>
      %dma_wait3A_219 = tpu.memref_squeeze %dma_wait3A_218 : memref<1x1024x32xf32, #tpu.memory_space<vmem>> -> memref<1024x32xf32, #tpu.memory_space<vmem>>
      %dma_wait3A_220 = arith.constant 0 : i32
      %dma_wait3A_221 = tpu.memref_slice %arg2[%multiple_of3A, %dma_wait3A_220] : memref<1000000x32xf32, #tpu.memory_space<hbm>> -> memref<1024x32xf32, #tpu.memory_space<hbm>>
      tpu.wait_dma2 semaphore(%arg14 : memref<!tpu.dma_semaphore, #tpu.memory_space<semaphore_mem>>) src(%dma_wait3A_221 : memref<1024x32xf32, #tpu.memory_space<hbm>>) dst(%dma_wait3A_219 : memref<1024x32xf32, #tpu.memory_space<vmem>>)
      %mul3A_222 = arith.constant 1024 : i32
      %mul3A_223 = arith.muli %add3A_208, %mul3A_222 : i32
      %sub3A_224 = arith.constant 1024 : i32
      %sub3A_225 = arith.subi %sub3A, %sub3A_224 : i32
      %min3A_226 = arith.minsi %mul3A_223, %sub3A_225 : i32
      %add3A_227 = arith.addi %multiple_of3A, %min3A_226 : i32
      %multiple_of3A_228 = tpu.assume_multiple %add3A_227, 8 : i32
      %dma_start3A_229 = arith.constant 0 : i32
      %dma_start3A_230 = arith.constant 0 : i32
      %dma_start3A_231 = arith.constant 0 : i32
      %dma_start3A_232 = tpu.memref_slice %arg12[%dma_start3A_229, %dma_start3A_230, %dma_start3A_231] : memref<2x1024x32xf32, #tpu.memory_space<vmem>> -> memref<1x1024x32xf32, #tpu.memory_space<vmem>>
      %dma_start3A_233 = tpu.memref_squeeze %dma_start3A_232 : memref<1x1024x32xf32, #tpu.memory_space<vmem>> -> memref<1024x32xf32, #tpu.memory_space<vmem>>
      %dma_start3A_234 = arith.constant 0 : i32
      %dma_start3A_235 = tpu.memref_slice %arg5[%multiple_of3A_228, %dma_start3A_234] : memref<1000000x32xf32, #tpu.memory_space<hbm>> -> memref<1024x32xf32, #tpu.memory_space<hbm>>
      %dma_start3A_236 = arith.constant 0 : i32
      %dma_start3A_237 = tpu.memref_slice %arg5[%multiple_of3A_228, %dma_start3A_236] : memref<1000000x32xf32, #tpu.memory_space<hbm>> -> memref<1024x32xf32, #tpu.memory_space<hbm>>
      %dma_start3A_238 = arith.constant 0 : i32
      %dma_start3A_239 = arith.constant 0 : i32
      %dma_start3A_240 = tpu.memref_slice %arg12[%dma_start3A_229, %dma_start3A_238, %dma_start3A_239] : memref<2x1024x32xf32, #tpu.memory_space<vmem>> -> memref<1x1024x32xf32, #tpu.memory_space<vmem>>
      %dma_start3A_241 = tpu.memref_squeeze %dma_start3A_240 : memref<1x1024x32xf32, #tpu.memory_space<vmem>> -> memref<1024x32xf32, #tpu.memory_space<vmem>>
      tpu.enqueue_dma source(%dma_start3A_241 : memref<1024x32xf32, #tpu.memory_space<vmem>>) target(%dma_start3A_237 : memref<1024x32xf32, #tpu.memory_space<hbm>>) target_semaphore(%arg15 : memref<!tpu.dma_semaphore, #tpu.memory_space<semaphore_mem>>)
      %ge3A = arith.constant 1 : i32
      %ge3A_242 = arith.cmpi sge, %add3A_208, %ge3A : i32
      %convert_element_type3A = arith.extui %ge3A_242 : i1 to i32
      %cond3A = arith.constant 0 : i32
      %cond3A_243 = arith.cmpi ne, %convert_element_type3A, %cond3A : i32
      scf.if %cond3A_243 {
        %dma_wait3A_297 = arith.constant 0 : i32
        %dma_wait3A_298 = arith.constant 0 : i32
        %dma_wait3A_299 = arith.constant 0 : i32
        %dma_wait3A_300 = tpu.memref_slice %arg12[%dma_wait3A_297, %dma_wait3A_298, %dma_wait3A_299] : memref<2x1024x32xf32, #tpu.memory_space<vmem>> -> memref<1x1024x32xf32, #tpu.memory_space<vmem>>
        %dma_wait3A_301 = tpu.memref_squeeze %dma_wait3A_300 : memref<1x1024x32xf32, #tpu.memory_space<vmem>> -> memref<1024x32xf32, #tpu.memory_space<vmem>>
        %dma_wait3A_302 = arith.constant 0 : i32
        %dma_wait3A_303 = tpu.memref_slice %arg5[%multiple_of3A, %dma_wait3A_302] : memref<1000000x32xf32, #tpu.memory_space<hbm>> -> memref<1024x32xf32, #tpu.memory_space<hbm>>
        %dma_wait3A_304 = arith.constant 0 : i32
        %dma_wait3A_305 = tpu.memref_slice %arg5[%multiple_of3A, %dma_wait3A_304] : memref<1000000x32xf32, #tpu.memory_space<hbm>> -> memref<1024x32xf32, #tpu.memory_space<hbm>>
        %dma_wait3A_306 = arith.constant 0 : i32
        %dma_wait3A_307 = arith.constant 0 : i32
        %dma_wait3A_308 = tpu.memref_slice %arg12[%dma_wait3A_297, %dma_wait3A_306, %dma_wait3A_307] : memref<2x1024x32xf32, #tpu.memory_space<vmem>> -> memref<1x1024x32xf32, #tpu.memory_space<vmem>>
        %dma_wait3A_309 = tpu.memref_squeeze %dma_wait3A_308 : memref<1x1024x32xf32, #tpu.memory_space<vmem>> -> memref<1024x32xf32, #tpu.memory_space<vmem>>
        tpu.wait_dma2 semaphore(%arg15 : memref<!tpu.dma_semaphore, #tpu.memory_space<semaphore_mem>>) src(%dma_wait3A_309 : memref<1024x32xf32, #tpu.memory_space<vmem>>) dst(%dma_wait3A_305 : memref<1024x32xf32, #tpu.memory_space<hbm>>)
      } else {
      }
      %add3A_244 = arith.constant 1 : i32
      %add3A_245 = arith.addi %add3A_208, %add3A_244 : i32
      %lt3A = arith.cmpi slt, %add3A_245, %mul3A_16 : i32
      %convert_element_type3A_246 = arith.extui %lt3A : i1 to i32
      %cond3A_247 = arith.constant 0 : i32
      %cond3A_248 = arith.cmpi ne, %convert_element_type3A_246, %cond3A_247 : i32
      scf.if %cond3A_248 {
        %add3A_297 = arith.constant 1 : i32
        %add3A_298 = arith.addi %add3A_208, %add3A_297 : i32
        %mul3A_299 = arith.constant 1024 : i32
        %mul3A_300 = arith.muli %add3A_298, %mul3A_299 : i32
        %sub3A_301 = arith.constant 1024 : i32
        %sub3A_302 = arith.subi %sub3A, %sub3A_301 : i32
        %min3A_303 = arith.minsi %mul3A_300, %sub3A_302 : i32
        %add3A_304 = arith.addi %multiple_of3A, %min3A_303 : i32
        %multiple_of3A_305 = tpu.assume_multiple %add3A_304, 8 : i32
        %dma_start3A_306 = arith.constant 1 : i32
        %dma_start3A_307 = arith.constant 0 : i32
        %dma_start3A_308 = arith.constant 0 : i32
        %dma_start3A_309 = tpu.memref_slice %arg12[%dma_start3A_306, %dma_start3A_307, %dma_start3A_308] : memref<2x1024x32xf32, #tpu.memory_space<vmem>> -> memref<1x1024x32xf32, #tpu.memory_space<vmem>>
        %dma_start3A_310 = tpu.memref_squeeze %dma_start3A_309 : memref<1x1024x32xf32, #tpu.memory_space<vmem>> -> memref<1024x32xf32, #tpu.memory_space<vmem>>
        %dma_start3A_311 = arith.constant 0 : i32
        %dma_start3A_312 = tpu.memref_slice %arg2[%multiple_of3A_305, %dma_start3A_311] : memref<1000000x32xf32, #tpu.memory_space<hbm>> -> memref<1024x32xf32, #tpu.memory_space<hbm>>
        %dma_start3A_313 = arith.constant 0 : i32
        %dma_start3A_314 = arith.constant 0 : i32
        %dma_start3A_315 = tpu.memref_slice %arg12[%dma_start3A_306, %dma_start3A_313, %dma_start3A_314] : memref<2x1024x32xf32, #tpu.memory_space<vmem>> -> memref<1x1024x32xf32, #tpu.memory_space<vmem>>
        %dma_start3A_316 = tpu.memref_squeeze %dma_start3A_315 : memref<1x1024x32xf32, #tpu.memory_space<vmem>> -> memref<1024x32xf32, #tpu.memory_space<vmem>>
        %dma_start3A_317 = arith.constant 0 : i32
        %dma_start3A_318 = tpu.memref_slice %arg2[%multiple_of3A_305, %dma_start3A_317] : memref<1000000x32xf32, #tpu.memory_space<hbm>> -> memref<1024x32xf32, #tpu.memory_space<hbm>>
        tpu.enqueue_dma source(%dma_start3A_318 : memref<1024x32xf32, #tpu.memory_space<hbm>>) target(%dma_start3A_316 : memref<1024x32xf32, #tpu.memory_space<vmem>>) target_semaphore(%arg14 : memref<!tpu.dma_semaphore, #tpu.memory_space<semaphore_mem>>)
      } else {
      }
      %mul3A_249 = arith.constant 2 : i32
      %mul3A_250 = arith.muli %mul3A_249, %while3A_204 : i32
      %add3A_251 = arith.constant 1 : i32
      %add3A_252 = arith.addi %mul3A_250, %add3A_251 : i32
      %dma_wait3A_253 = arith.constant 0 : i32
      %dma_wait3A_254 = arith.constant 0 : i32
      %dma_wait3A_255 = arith.constant 0 : i32
      %dma_wait3A_256 = tpu.memref_slice %arg12[%dma_wait3A_253, %dma_wait3A_254, %dma_wait3A_255] : memref<2x1024x32xf32, #tpu.memory_space<vmem>> -> memref<1x1024x32xf32, #tpu.memory_space<vmem>>
      %dma_wait3A_257 = tpu.memref_squeeze %dma_wait3A_256 : memref<1x1024x32xf32, #tpu.memory_space<vmem>> -> memref<1024x32xf32, #tpu.memory_space<vmem>>
      %dma_wait3A_258 = arith.constant 0 : i32
      %dma_wait3A_259 = tpu.memref_slice %arg2[%multiple_of3A, %dma_wait3A_258] : memref<1000000x32xf32, #tpu.memory_space<hbm>> -> memref<1024x32xf32, #tpu.memory_space<hbm>>
      %dma_wait3A_260 = arith.constant 0 : i32
      %dma_wait3A_261 = arith.constant 0 : i32
      %dma_wait3A_262 = tpu.memref_slice %arg12[%dma_wait3A_253, %dma_wait3A_260, %dma_wait3A_261] : memref<2x1024x32xf32, #tpu.memory_space<vmem>> -> memref<1x1024x32xf32, #tpu.memory_space<vmem>>
      %dma_wait3A_263 = tpu.memref_squeeze %dma_wait3A_262 : memref<1x1024x32xf32, #tpu.memory_space<vmem>> -> memref<1024x32xf32, #tpu.memory_space<vmem>>
      %dma_wait3A_264 = arith.constant 0 : i32
      %dma_wait3A_265 = tpu.memref_slice %arg2[%multiple_of3A, %dma_wait3A_264] : memref<1000000x32xf32, #tpu.memory_space<hbm>> -> memref<1024x32xf32, #tpu.memory_space<hbm>>
      tpu.wait_dma2 semaphore(%arg14 : memref<!tpu.dma_semaphore, #tpu.memory_space<semaphore_mem>>) src(%dma_wait3A_265 : memref<1024x32xf32, #tpu.memory_space<hbm>>) dst(%dma_wait3A_263 : memref<1024x32xf32, #tpu.memory_space<vmem>>)
      %mul3A_266 = arith.constant 1024 : i32
      %mul3A_267 = arith.muli %add3A_252, %mul3A_266 : i32
      %sub3A_268 = arith.constant 1024 : i32
      %sub3A_269 = arith.subi %sub3A, %sub3A_268 : i32
      %min3A_270 = arith.minsi %mul3A_267, %sub3A_269 : i32
      %add3A_271 = arith.addi %multiple_of3A, %min3A_270 : i32
      %multiple_of3A_272 = tpu.assume_multiple %add3A_271, 8 : i32
      %dma_start3A_273 = arith.constant 1 : i32
      %dma_start3A_274 = arith.constant 0 : i32
      %dma_start3A_275 = arith.constant 0 : i32
      %dma_start3A_276 = tpu.memref_slice %arg12[%dma_start3A_273, %dma_start3A_274, %dma_start3A_275] : memref<2x1024x32xf32, #tpu.memory_space<vmem>> -> memref<1x1024x32xf32, #tpu.memory_space<vmem>>
      %dma_start3A_277 = tpu.memref_squeeze %dma_start3A_276 : memref<1x1024x32xf32, #tpu.memory_space<vmem>> -> memref<1024x32xf32, #tpu.memory_space<vmem>>
      %dma_start3A_278 = arith.constant 0 : i32
      %dma_start3A_279 = tpu.memref_slice %arg5[%multiple_of3A_272, %dma_start3A_278] : memref<1000000x32xf32, #tpu.memory_space<hbm>> -> memref<1024x32xf32, #tpu.memory_space<hbm>>
      %dma_start3A_280 = arith.constant 0 : i32
      %dma_start3A_281 = tpu.memref_slice %arg5[%multiple_of3A_272, %dma_start3A_280] : memref<1000000x32xf32, #tpu.memory_space<hbm>> -> memref<1024x32xf32, #tpu.memory_space<hbm>>
      %dma_start3A_282 = arith.constant 0 : i32
      %dma_start3A_283 = arith.constant 0 : i32
      %dma_start3A_284 = tpu.memref_slice %arg12[%dma_start3A_273, %dma_start3A_282, %dma_start3A_283] : memref<2x1024x32xf32, #tpu.memory_space<vmem>> -> memref<1x1024x32xf32, #tpu.memory_space<vmem>>
      %dma_start3A_285 = tpu.memref_squeeze %dma_start3A_284 : memref<1x1024x32xf32, #tpu.memory_space<vmem>> -> memref<1024x32xf32, #tpu.memory_space<vmem>>
      tpu.enqueue_dma source(%dma_start3A_285 : memref<1024x32xf32, #tpu.memory_space<vmem>>) target(%dma_start3A_281 : memref<1024x32xf32, #tpu.memory_space<hbm>>) target_semaphore(%arg15 : memref<!tpu.dma_semaphore, #tpu.memory_space<semaphore_mem>>)
      %ge3A_286 = arith.constant 1 : i32
      %ge3A_287 = arith.cmpi sge, %add3A_252, %ge3A_286 : i32
      %convert_element_type3A_288 = arith.extui %ge3A_287 : i1 to i32
      %cond3A_289 = arith.constant 0 : i32
      %cond3A_290 = arith.cmpi ne, %convert_element_type3A_288, %cond3A_289 : i32
      scf.if %cond3A_290 {
        %dma_wait3A_297 = arith.constant 0 : i32
        %dma_wait3A_298 = arith.constant 0 : i32
        %dma_wait3A_299 = arith.constant 0 : i32
        %dma_wait3A_300 = tpu.memref_slice %arg12[%dma_wait3A_297, %dma_wait3A_298, %dma_wait3A_299] : memref<2x1024x32xf32, #tpu.memory_space<vmem>> -> memref<1x1024x32xf32, #tpu.memory_space<vmem>>
        %dma_wait3A_301 = tpu.memref_squeeze %dma_wait3A_300 : memref<1x1024x32xf32, #tpu.memory_space<vmem>> -> memref<1024x32xf32, #tpu.memory_space<vmem>>
        %dma_wait3A_302 = arith.constant 0 : i32
        %dma_wait3A_303 = tpu.memref_slice %arg5[%multiple_of3A, %dma_wait3A_302] : memref<1000000x32xf32, #tpu.memory_space<hbm>> -> memref<1024x32xf32, #tpu.memory_space<hbm>>
        %dma_wait3A_304 = arith.constant 0 : i32
        %dma_wait3A_305 = tpu.memref_slice %arg5[%multiple_of3A, %dma_wait3A_304] : memref<1000000x32xf32, #tpu.memory_space<hbm>> -> memref<1024x32xf32, #tpu.memory_space<hbm>>
        %dma_wait3A_306 = arith.constant 0 : i32
        %dma_wait3A_307 = arith.constant 0 : i32
        %dma_wait3A_308 = tpu.memref_slice %arg12[%dma_wait3A_297, %dma_wait3A_306, %dma_wait3A_307] : memref<2x1024x32xf32, #tpu.memory_space<vmem>> -> memref<1x1024x32xf32, #tpu.memory_space<vmem>>
        %dma_wait3A_309 = tpu.memref_squeeze %dma_wait3A_308 : memref<1x1024x32xf32, #tpu.memory_space<vmem>> -> memref<1024x32xf32, #tpu.memory_space<vmem>>
        tpu.wait_dma2 semaphore(%arg15 : memref<!tpu.dma_semaphore, #tpu.memory_space<semaphore_mem>>) src(%dma_wait3A_309 : memref<1024x32xf32, #tpu.memory_space<vmem>>) dst(%dma_wait3A_305 : memref<1024x32xf32, #tpu.memory_space<hbm>>)
      } else {
      }
      %add3A_291 = arith.constant 1 : i32
      %add3A_292 = arith.addi %add3A_252, %add3A_291 : i32
      %lt3A_293 = arith.cmpi slt, %add3A_292, %mul3A_16 : i32
      %convert_element_type3A_294 = arith.extui %lt3A_293 : i1 to i32
      %cond3A_295 = arith.constant 0 : i32
      %cond3A_296 = arith.cmpi ne, %convert_element_type3A_294, %cond3A_295 : i32
      scf.if %cond3A_296 {
        %add3A_297 = arith.constant 1 : i32
        %add3A_298 = arith.addi %add3A_252, %add3A_297 : i32
        %mul3A_299 = arith.constant 1024 : i32
        %mul3A_300 = arith.muli %add3A_298, %mul3A_299 : i32
        %sub3A_301 = arith.constant 1024 : i32
        %sub3A_302 = arith.subi %sub3A, %sub3A_301 : i32
        %min3A_303 = arith.minsi %mul3A_300, %sub3A_302 : i32
        %add3A_304 = arith.addi %multiple_of3A, %min3A_303 : i32
        %multiple_of3A_305 = tpu.assume_multiple %add3A_304, 8 : i32
        %dma_start3A_306 = arith.constant 0 : i32
        %dma_start3A_307 = arith.constant 0 : i32
        %dma_start3A_308 = arith.constant 0 : i32
        %dma_start3A_309 = tpu.memref_slice %arg12[%dma_start3A_306, %dma_start3A_307, %dma_start3A_308] : memref<2x1024x32xf32, #tpu.memory_space<vmem>> -> memref<1x1024x32xf32, #tpu.memory_space<vmem>>
        %dma_start3A_310 = tpu.memref_squeeze %dma_start3A_309 : memref<1x1024x32xf32, #tpu.memory_space<vmem>> -> memref<1024x32xf32, #tpu.memory_space<vmem>>
        %dma_start3A_311 = arith.constant 0 : i32
        %dma_start3A_312 = tpu.memref_slice %arg2[%multiple_of3A_305, %dma_start3A_311] : memref<1000000x32xf32, #tpu.memory_space<hbm>> -> memref<1024x32xf32, #tpu.memory_space<hbm>>
        %dma_start3A_313 = arith.constant 0 : i32
        %dma_start3A_314 = arith.constant 0 : i32
        %dma_start3A_315 = tpu.memref_slice %arg12[%dma_start3A_306, %dma_start3A_313, %dma_start3A_314] : memref<2x1024x32xf32, #tpu.memory_space<vmem>> -> memref<1x1024x32xf32, #tpu.memory_space<vmem>>
        %dma_start3A_316 = tpu.memref_squeeze %dma_start3A_315 : memref<1x1024x32xf32, #tpu.memory_space<vmem>> -> memref<1024x32xf32, #tpu.memory_space<vmem>>
        %dma_start3A_317 = arith.constant 0 : i32
        %dma_start3A_318 = tpu.memref_slice %arg2[%multiple_of3A_305, %dma_start3A_317] : memref<1000000x32xf32, #tpu.memory_space<hbm>> -> memref<1024x32xf32, #tpu.memory_space<hbm>>
        tpu.enqueue_dma source(%dma_start3A_318 : memref<1024x32xf32, #tpu.memory_space<hbm>>) target(%dma_start3A_316 : memref<1024x32xf32, #tpu.memory_space<vmem>>) target_semaphore(%arg14 : memref<!tpu.dma_semaphore, #tpu.memory_space<semaphore_mem>>)
      } else {
      }
    }
    %dma_wait3A = arith.constant 0 : i32
    %dma_wait3A_44 = arith.constant 0 : i32
    %dma_wait3A_45 = arith.constant 0 : i32
    %dma_wait3A_46 = tpu.memref_slice %arg12[%dma_wait3A, %dma_wait3A_44, %dma_wait3A_45] : memref<2x1024x32xf32, #tpu.memory_space<vmem>> -> memref<1x1024x32xf32, #tpu.memory_space<vmem>>
    %dma_wait3A_47 = tpu.memref_squeeze %dma_wait3A_46 : memref<1x1024x32xf32, #tpu.memory_space<vmem>> -> memref<1024x32xf32, #tpu.memory_space<vmem>>
    %dma_wait3A_48 = arith.constant 0 : i32
    %dma_wait3A_49 = tpu.memref_slice %arg5[%multiple_of3A, %dma_wait3A_48] : memref<1000000x32xf32, #tpu.memory_space<hbm>> -> memref<1024x32xf32, #tpu.memory_space<hbm>>
    %dma_wait3A_50 = arith.constant 0 : i32
    %dma_wait3A_51 = tpu.memref_slice %arg5[%multiple_of3A, %dma_wait3A_50] : memref<1000000x32xf32, #tpu.memory_space<hbm>> -> memref<1024x32xf32, #tpu.memory_space<hbm>>
    %dma_wait3A_52 = arith.constant 0 : i32
    %dma_wait3A_53 = arith.constant 0 : i32
    %dma_wait3A_54 = tpu.memref_slice %arg12[%dma_wait3A, %dma_wait3A_52, %dma_wait3A_53] : memref<2x1024x32xf32, #tpu.memory_space<vmem>> -> memref<1x1024x32xf32, #tpu.memory_space<vmem>>
    %dma_wait3A_55 = tpu.memref_squeeze %dma_wait3A_54 : memref<1x1024x32xf32, #tpu.memory_space<vmem>> -> memref<1024x32xf32, #tpu.memory_space<vmem>>
    tpu.wait_dma2 semaphore(%arg15 : memref<!tpu.dma_semaphore, #tpu.memory_space<semaphore_mem>>) src(%dma_wait3A_55 : memref<1024x32xf32, #tpu.memory_space<vmem>>) dst(%dma_wait3A_51 : memref<1024x32xf32, #tpu.memory_space<hbm>>)
    %scan3A = arith.constant 0 : i32
    %scan3A_56 = arith.constant 0 : i32
    %scan3A_57 = arith.constant 32 : i32
    %scan3A_58 = arith.addi %scan3A_56, %scan3A_57 : i32
    %scan3A_59 = arith.constant 1 : i32
    %scan3A_60 = scf.for %scan3A_204 = %scan3A_56 to %scan3A_58 step %scan3A_59 iter_args(%scan3A_205 = %scan3A) -> (i32)  : i32 {
      %mul3A_206 = arith.constant 512 : i32
      %mul3A_207 = arith.muli %scan3A_204, %mul3A_206 : i32
      "tpu.region"() ({
        %run_scoped3A = tpu.sem_alloc : memref<!tpu.dma_semaphore, #tpu.memory_space<semaphore_mem>>
        %dma_start3A_214 = tpu.memref_slice %arg3[%mul3A_207] : memref<16384xi32, #tpu.memory_space<hbm>> -> memref<512xi32, #tpu.memory_space<hbm>>
        %dma_start3A_215 = tpu.memref_slice %arg3[%mul3A_207] : memref<16384xi32, #tpu.memory_space<hbm>> -> memref<512xi32, #tpu.memory_space<hbm>>
        tpu.enqueue_dma source(%dma_start3A_215 : memref<512xi32, #tpu.memory_space<hbm>>) target(%arg7 : memref<512xi32, #tpu.memory_space<vmem>>) target_semaphore(%run_scoped3A : memref<!tpu.dma_semaphore, #tpu.memory_space<semaphore_mem>>)
        %dma_wait3A_216 = tpu.memref_slice %arg3[%mul3A_207] : memref<16384xi32, #tpu.memory_space<hbm>> -> memref<512xi32, #tpu.memory_space<hbm>>
        %dma_wait3A_217 = tpu.memref_slice %arg3[%mul3A_207] : memref<16384xi32, #tpu.memory_space<hbm>> -> memref<512xi32, #tpu.memory_space<hbm>>
        tpu.wait_dma2 semaphore(%run_scoped3A : memref<!tpu.dma_semaphore, #tpu.memory_space<semaphore_mem>>) src(%dma_wait3A_217 : memref<512xi32, #tpu.memory_space<hbm>>) dst(%arg7 : memref<512xi32, #tpu.memory_space<vmem>>)
        tpu.yield
      }) : () -> ()
      %scan3A_208 = arith.constant 0 : i32
      %scan3A_209 = arith.constant 32 : i32
      %scan3A_210 = arith.addi %scan3A_208, %scan3A_209 : i32
      %scan3A_211 = arith.constant 1 : i32
      %scan3A_212 = scf.for %scan3A_214 = %scan3A_208 to %scan3A_210 step %scan3A_211 iter_args(%scan3A_215 = %scan3A_205) -> (i32)  : i32 {
        %mul3A_216 = arith.constant 16 : i32
        %mul3A_217 = arith.muli %scan3A_214, %mul3A_216 : i32
        %get3A_218 = arith.index_cast %mul3A_217 : i32 to index
        %get3A_219 = tpu.vector_load %arg7[%get3A_218] {strides = array<i32>} : memref<512xi32, #tpu.memory_space<vmem>>, vector<16xi32>,
        %mul3A_220 = arith.constant 512 : i32
        %mul3A_221 = arith.muli %scan3A_204, %mul3A_220 : i32
        %mul3A_222 = arith.constant 16 : i32
        %mul3A_223 = arith.muli %scan3A_214, %mul3A_222 : i32
        %add3A_224 = arith.addi %mul3A_221, %mul3A_223 : i32
        %add3A_225 = vector.broadcast %add3A_224 : i32 to vector<16xi32>
        %add3A_226 = arith.addi %iota3A, %add3A_225 : vector<16xi32>
        %ge3A = vector.broadcast %multiple_of3A : i32 to vector<16xi32>
        %ge3A_227 = arith.cmpi sge, %get3A_219, %ge3A : vector<16xi32>
        %lt3A = vector.broadcast %min3A_5 : i32 to vector<16xi32>
        %lt3A_228 = arith.cmpi slt, %get3A_219, %lt3A : vector<16xi32>
        %and3A = arith.andi %ge3A_227, %lt3A_228 : vector<16xi1>
        %swap3A = arith.index_cast %scan3A_215 : i32 to index
        %swap3A_229 = tpu.vector_load %arg8[%swap3A] masked %and3A {strides = array<i32>} : memref<16400xi32, #tpu.memory_space<vmem>>, vector<16xi32>, vector<16xi1>
        tpu.vector_store %arg8[%swap3A], %add3A_226 masked %and3A {strides = array<i32>} : memref<16400xi32, #tpu.memory_space<vmem>>, vector<16xi32>, vector<16xi1>
        %swap3A_230 = arith.index_cast %scan3A_215 : i32 to index
        %swap3A_231 = tpu.vector_load %arg9[%swap3A_230] masked %and3A {strides = array<i32>} : memref<16400xi32, #tpu.memory_space<vmem>>, vector<16xi32>, vector<16xi1>
        tpu.vector_store %arg9[%swap3A_230], %get3A_219 masked %and3A {strides = array<i32>} : memref<16400xi32, #tpu.memory_space<vmem>>, vector<16xi32>, vector<16xi1>
        %all_reduce_population_count3A = tpu.all_reduce %and3A {dim = 0 : i64, kind = #tpu.reduction_kind<sum>} : vector<16xi1> -> vector<16xi32>
        %reduce_max3A = arith.constant true
        %reduce_max3A_232 = vector.broadcast %reduce_max3A : i1 to vector<16xi1>
        %reduce_max3A_233 = arith.constant -2147483648 : i32
        %reduce_max3A_234 = vector.broadcast %reduce_max3A_233 : i32 to vector<16xi32>
        %reduce_max3A_235 = arith.xori %all_reduce_population_count3A, %reduce_max3A_234 : vector<16xi32>
        %reduce_max3A_236 = tpu.scan <max>, %reduce_max3A_235 masked %reduce_max3A_232 : vector<16xi32>, vector<16xi1> -> vector<16xi32>
        %reduce_max3A_237 = arith.xori %reduce_max3A_236, %reduce_max3A_234 : vector<16xi32>
        %reduce_max3A_238 = vector.extract %reduce_max3A_237[15] : i32 from vector<16xi32>
        %add3A_239 = arith.addi %scan3A_215, %reduce_max3A_238 : i32
        scf.yield %add3A_239 : i32
      }
      %scan3A_213 = arith.constant 32 : i32
      scf.yield %scan3A_212 : i32
    }
    %scan3A_61 = arith.constant 32 : i32
    %add3A_62 = arith.constant 16 : i32
    %add3A_63 = arith.addi %scan3A_60, %add3A_62 : i32
    %sub3A_64 = arith.constant 1 : i32
    %sub3A_65 = arith.subi %add3A_63, %sub3A_64 : i32
    %div3A_66 = arith.constant 16 : i32
    %div3A_67 = arith.divsi %sub3A_65, %div3A_66 : i32
    %while3A_68 = arith.constant 0 : i32
    %while3A_69 = arith.constant 0 : i32
    %while3A_70 = arith.subi %div3A_67, %while3A_69 : i32
    %while3A_71 = arith.addi %while3A_69, %while3A_70 : i32
    %while3A_72 = arith.constant 1 : i32
    %while3A_73 = arith.divsi %while3A_70, %while3A_72 : i32
    %while3A_74 = arith.muli %while3A_73, %while3A_72 : i32
    %while3A_75 = arith.addi %while3A_69, %while3A_74 : i32
    %while3A_76 = arith.constant 1 : i32
    scf.for %while3A_204 = %while3A_69 to %while3A_75 step %while3A_76  : i32 {
      %mul3A_205 = arith.constant 16 : i32
      %mul3A_206 = arith.muli %while3A_204, %mul3A_205 : i32
      %get3A_207 = arith.index_cast %mul3A_206 : i32 to index
      %get3A_208 = tpu.vector_load %arg8[%get3A_207] {strides = array<i32>} : memref<16400xi32, #tpu.memory_space<vmem>>, vector<16xi32>,
      %mul3A_209 = arith.constant 16 : i32
      %mul3A_210 = arith.muli %while3A_204, %mul3A_209 : i32
      %get3A_211 = arith.index_cast %mul3A_210 : i32 to index
      %get3A_212 = tpu.vector_load %arg9[%get3A_211] {strides = array<i32>} : memref<16400xi32, #tpu.memory_space<vmem>>, vector<16xi32>,
      %mul3A_213 = arith.constant 16 : i32
      %mul3A_214 = arith.muli %while3A_204, %mul3A_213 : i32
      %sub3A_215 = arith.subi %scan3A_60, %mul3A_214 : i32
      %lt3A = vector.broadcast %sub3A_215 : i32 to vector<16xi32>
      %lt3A_216 = arith.cmpi slt, %iota3A, %lt3A : vector<16xi32>
      %sub3A_217 = vector.broadcast %multiple_of3A : i32 to vector<16xi32>
      %sub3A_218 = arith.subi %get3A_212, %sub3A_217 : vector<16xi32>
      %jit3A_219 = arith.constant 0 : i32
      %broadcast_in_dim3A_220 = vector.broadcast %jit3A_219 : i32 to vector<16xi32>
      %select_n3A_221 = arith.select %lt3A_216, %sub3A_218, %broadcast_in_dim3A_220 : vector<16xi1>, vector<16xi32>
      tpu.vector_store_idx %arg11[%select_n3A_221], %get3A_208 masked %lt3A_216 : memref<31256xi32, #tpu.memory_space<vmem>>[vector<16xi32>], vector<16xi32>, vector<16xi1>
    }
    %while3A_77 = arith.constant 1 : i32
    scf.for %while3A_204 = %while3A_75 to %while3A_71 step %while3A_77  : i32 {
      %mul3A_205 = arith.constant 16 : i32
      %mul3A_206 = arith.muli %while3A_204, %mul3A_205 : i32
      %get3A_207 = arith.index_cast %mul3A_206 : i32 to index
      %get3A_208 = tpu.vector_load %arg8[%get3A_207] {strides = array<i32>} : memref<16400xi32, #tpu.memory_space<vmem>>, vector<16xi32>,
      %mul3A_209 = arith.constant 16 : i32
      %mul3A_210 = arith.muli %while3A_204, %mul3A_209 : i32
      %get3A_211 = arith.index_cast %mul3A_210 : i32 to index
      %get3A_212 = tpu.vector_load %arg9[%get3A_211] {strides = array<i32>} : memref<16400xi32, #tpu.memory_space<vmem>>, vector<16xi32>,
      %mul3A_213 = arith.constant 16 : i32
      %mul3A_214 = arith.muli %while3A_204, %mul3A_213 : i32
      %sub3A_215 = arith.subi %scan3A_60, %mul3A_214 : i32
      %lt3A = vector.broadcast %sub3A_215 : i32 to vector<16xi32>
      %lt3A_216 = arith.cmpi slt, %iota3A, %lt3A : vector<16xi32>
      %sub3A_217 = vector.broadcast %multiple_of3A : i32 to vector<16xi32>
      %sub3A_218 = arith.subi %get3A_212, %sub3A_217 : vector<16xi32>
      %jit3A_219 = arith.constant 0 : i32
      %broadcast_in_dim3A_220 = vector.broadcast %jit3A_219 : i32 to vector<16xi32>
      %select_n3A_221 = arith.select %lt3A_216, %sub3A_218, %broadcast_in_dim3A_220 : vector<16xi1>, vector<16xi32>
      tpu.vector_store_idx %arg11[%select_n3A_221], %get3A_208 masked %lt3A_216 : memref<31256xi32, #tpu.memory_space<vmem>>[vector<16xi32>], vector<16xi32>, vector<16xi1>
    }
    %while3A_78 = arith.constant 1 : i32
    %while3A_79 = scf.while (%while3A_204 = %while3A_78) : (i32) -> i32 {
      %ne3A = arith.constant 0 : i32
      %ne3A_205 = arith.cmpi ne, %while3A_204, %ne3A : i32
      scf.condition(%ne3A_205) %while3A_204 : i32
    } do {
    ^bb0(%while3A_204: i32):
      %while3A_205 = arith.constant 0 : i32
      %while3A_206 = arith.constant 0 : i32
      %while3A_207 = arith.subi %div3A_67, %while3A_205 : i32
      %while3A_208 = arith.addi %while3A_205, %while3A_207 : i32
      %while3A_209 = arith.constant 1 : i32
      %while3A_210 = arith.divsi %while3A_207, %while3A_209 : i32
      %while3A_211 = arith.muli %while3A_210, %while3A_209 : i32
      %while3A_212 = arith.addi %while3A_205, %while3A_211 : i32
      %while3A_213 = arith.constant 1 : i32
      %while3A_214 = scf.for %while3A_217 = %while3A_205 to %while3A_212 step %while3A_213 iter_args(%while3A_218 = %while3A_206) -> (i32)  : i32 {
        %mul3A_219 = arith.constant 16 : i32
        %mul3A_220 = arith.muli %while3A_217, %mul3A_219 : i32
        %get3A_221 = arith.index_cast %mul3A_220 : i32 to index
        %get3A_222 = tpu.vector_load %arg8[%get3A_221] {strides = array<i32>} : memref<16400xi32, #tpu.memory_space<vmem>>, vector<16xi32>,
        %mul3A_223 = arith.constant 16 : i32
        %mul3A_224 = arith.muli %while3A_217, %mul3A_223 : i32
        %get3A_225 = arith.index_cast %mul3A_224 : i32 to index
        %get3A_226 = tpu.vector_load %arg9[%get3A_225] {strides = array<i32>} : memref<16400xi32, #tpu.memory_space<vmem>>, vector<16xi32>,
        %mul3A_227 = arith.constant 16 : i32
        %mul3A_228 = arith.muli %while3A_217, %mul3A_227 : i32
        %sub3A_229 = arith.subi %scan3A_60, %mul3A_228 : i32
        %lt3A = vector.broadcast %sub3A_229 : i32 to vector<16xi32>
        %lt3A_230 = arith.cmpi slt, %iota3A, %lt3A : vector<16xi32>
        %sub3A_231 = vector.broadcast %multiple_of3A : i32 to vector<16xi32>
        %sub3A_232 = arith.subi %get3A_226, %sub3A_231 : vector<16xi32>
        %jit3A_233 = arith.constant 0 : i32
        %broadcast_in_dim3A_234 = vector.broadcast %jit3A_233 : i32 to vector<16xi32>
        %select_n3A_235 = arith.select %lt3A_230, %sub3A_232, %broadcast_in_dim3A_234 : vector<16xi1>, vector<16xi32>
        %gather3A_236 = tpu.vector_load_idx %arg11[%select_n3A_235] masked %lt3A_230 : memref<31256xi32, #tpu.memory_space<vmem>>[vector<16xi32>], vector<16xi32>, vector<16xi1>
        %gt3A = arith.cmpi sgt, %get3A_222, %gather3A_236 : vector<16xi32>
        %and3A = arith.andi %lt3A_230, %gt3A : vector<16xi1>
        tpu.vector_store_idx %arg11[%select_n3A_235], %get3A_222 masked %and3A : memref<31256xi32, #tpu.memory_space<vmem>>[vector<16xi32>], vector<16xi32>, vector<16xi1>
        %all_reduce_population_count3A = tpu.all_reduce %and3A {dim = 0 : i64, kind = #tpu.reduction_kind<sum>} : vector<16xi1> -> vector<16xi32>
        %reduce_max3A = arith.constant true
        %reduce_max3A_237 = vector.broadcast %reduce_max3A : i1 to vector<16xi1>
        %reduce_max3A_238 = arith.constant -2147483648 : i32
        %reduce_max3A_239 = vector.broadcast %reduce_max3A_238 : i32 to vector<16xi32>
        %reduce_max3A_240 = arith.xori %all_reduce_population_count3A, %reduce_max3A_239 : vector<16xi32>
        %reduce_max3A_241 = tpu.scan <max>, %reduce_max3A_240 masked %reduce_max3A_237 : vector<16xi32>, vector<16xi1> -> vector<16xi32>
        %reduce_max3A_242 = arith.xori %reduce_max3A_241, %reduce_max3A_239 : vector<16xi32>
        %reduce_max3A_243 = vector.extract %reduce_max3A_242[15] : i32 from vector<16xi32>
        %or3A = arith.ori %while3A_218, %reduce_max3A_243 : i32
        scf.yield %or3A : i32
      }
      %while3A_215 = arith.constant 1 : i32
      %while3A_216 = scf.for %while3A_217 = %while3A_212 to %while3A_208 step %while3A_215 iter_args(%while3A_218 = %while3A_214) -> (i32)  : i32 {
        %mul3A_219 = arith.constant 16 : i32
        %mul3A_220 = arith.muli %while3A_217, %mul3A_219 : i32
        %get3A_221 = arith.index_cast %mul3A_220 : i32 to index
        %get3A_222 = tpu.vector_load %arg8[%get3A_221] {strides = array<i32>} : memref<16400xi32, #tpu.memory_space<vmem>>, vector<16xi32>,
        %mul3A_223 = arith.constant 16 : i32
        %mul3A_224 = arith.muli %while3A_217, %mul3A_223 : i32
        %get3A_225 = arith.index_cast %mul3A_224 : i32 to index
        %get3A_226 = tpu.vector_load %arg9[%get3A_225] {strides = array<i32>} : memref<16400xi32, #tpu.memory_space<vmem>>, vector<16xi32>,
        %mul3A_227 = arith.constant 16 : i32
        %mul3A_228 = arith.muli %while3A_217, %mul3A_227 : i32
        %sub3A_229 = arith.subi %scan3A_60, %mul3A_228 : i32
        %lt3A = vector.broadcast %sub3A_229 : i32 to vector<16xi32>
        %lt3A_230 = arith.cmpi slt, %iota3A, %lt3A : vector<16xi32>
        %sub3A_231 = vector.broadcast %multiple_of3A : i32 to vector<16xi32>
        %sub3A_232 = arith.subi %get3A_226, %sub3A_231 : vector<16xi32>
        %jit3A_233 = arith.constant 0 : i32
        %broadcast_in_dim3A_234 = vector.broadcast %jit3A_233 : i32 to vector<16xi32>
        %select_n3A_235 = arith.select %lt3A_230, %sub3A_232, %broadcast_in_dim3A_234 : vector<16xi1>, vector<16xi32>
        %gather3A_236 = tpu.vector_load_idx %arg11[%select_n3A_235] masked %lt3A_230 : memref<31256xi32, #tpu.memory_space<vmem>>[vector<16xi32>], vector<16xi32>, vector<16xi1>
        %gt3A = arith.cmpi sgt, %get3A_222, %gather3A_236 : vector<16xi32>
        %and3A = arith.andi %lt3A_230, %gt3A : vector<16xi1>
        tpu.vector_store_idx %arg11[%select_n3A_235], %get3A_222 masked %and3A : memref<31256xi32, #tpu.memory_space<vmem>>[vector<16xi32>], vector<16xi32>, vector<16xi1>
        %all_reduce_population_count3A = tpu.all_reduce %and3A {dim = 0 : i64, kind = #tpu.reduction_kind<sum>} : vector<16xi1> -> vector<16xi32>
        %reduce_max3A = arith.constant true
        %reduce_max3A_237 = vector.broadcast %reduce_max3A : i1 to vector<16xi1>
        %reduce_max3A_238 = arith.constant -2147483648 : i32
        %reduce_max3A_239 = vector.broadcast %reduce_max3A_238 : i32 to vector<16xi32>
        %reduce_max3A_240 = arith.xori %all_reduce_population_count3A, %reduce_max3A_239 : vector<16xi32>
        %reduce_max3A_241 = tpu.scan <max>, %reduce_max3A_240 masked %reduce_max3A_237 : vector<16xi32>, vector<16xi1> -> vector<16xi32>
        %reduce_max3A_242 = arith.xori %reduce_max3A_241, %reduce_max3A_239 : vector<16xi32>
        %reduce_max3A_243 = vector.extract %reduce_max3A_242[15] : i32 from vector<16xi32>
        %or3A = arith.ori %while3A_218, %reduce_max3A_243 : i32
        scf.yield %or3A : i32
      }
      scf.yield %while3A_216 : i32
    }
    %get3A = arith.constant 0 : index
    %get3A_80 = tpu.vector_load %arg8[%get3A] {strides = array<i32>} : memref<16400xi32, #tpu.memory_space<vmem>>, vector<16xi32>,
    %iota3A_81 = tpu.iota {dimensions = array<i32: 0>} : vector<16xi32>
    %eq3A = arith.constant 0 : i32
    %eq3A_82 = vector.broadcast %eq3A : i32 to vector<16xi32>
    %eq3A_83 = arith.cmpi eq, %iota3A_81, %eq3A_82 : vector<16xi32>
    %jit3A = arith.constant 0 : i32
    %broadcast_in_dim3A = vector.broadcast %jit3A : i32 to vector<16xi32>
    %select_n3A = arith.select %eq3A_83, %get3A_80, %broadcast_in_dim3A : vector<16xi1>, vector<16xi32>
    %reduce_sum3A = arith.constant true
    %reduce_sum3A_84 = vector.broadcast %reduce_sum3A : i1 to vector<16xi1>
    %reduce_sum3A_85 = tpu.scan <sum>, %select_n3A masked %reduce_sum3A_84 : vector<16xi32>, vector<16xi1> -> vector<16xi32>
    %reduce_sum3A_86 = vector.extract %reduce_sum3A_85[15] : i32 from vector<16xi32>
    %get3A_87 = arith.constant 0 : index
    %get3A_88 = tpu.vector_load %arg9[%get3A_87] {strides = array<i32>} : memref<16400xi32, #tpu.memory_space<vmem>>, vector<16xi32>,
    %eq3A_89 = arith.constant 0 : i32
    %eq3A_90 = vector.broadcast %eq3A_89 : i32 to vector<16xi32>
    %eq3A_91 = arith.cmpi eq, %iota3A, %eq3A_90 : vector<16xi32>
    %sub3A_92 = vector.broadcast %multiple_of3A : i32 to vector<16xi32>
    %sub3A_93 = arith.subi %get3A_88, %sub3A_92 : vector<16xi32>
    %jit3A_94 = arith.constant 0 : i32
    %broadcast_in_dim3A_95 = vector.broadcast %jit3A_94 : i32 to vector<16xi32>
    %select_n3A_96 = arith.select %eq3A_91, %sub3A_93, %broadcast_in_dim3A_95 : vector<16xi1>, vector<16xi32>
    %eq3A_97 = arith.constant 0 : i32
    %eq3A_98 = vector.broadcast %eq3A_97 : i32 to vector<16xi32>
    %eq3A_99 = arith.cmpi eq, %iota3A, %eq3A_98 : vector<16xi32>
    %gather3A = tpu.vector_load_idx %arg11[%select_n3A_96] masked %eq3A_99 : memref<31256xi32, #tpu.memory_space<vmem>>[vector<16xi32>], vector<16xi32>, vector<16xi1>
    %iota3A_100 = tpu.iota {dimensions = array<i32: 0>} : vector<16xi32>
    %eq3A_101 = arith.constant 0 : i32
    %eq3A_102 = vector.broadcast %eq3A_101 : i32 to vector<16xi32>
    %eq3A_103 = arith.cmpi eq, %iota3A_100, %eq3A_102 : vector<16xi32>
    %jit3A_104 = arith.constant 0 : i32
    %broadcast_in_dim3A_105 = vector.broadcast %jit3A_104 : i32 to vector<16xi32>
    %select_n3A_106 = arith.select %eq3A_103, %gather3A, %broadcast_in_dim3A_105 : vector<16xi1>, vector<16xi32>
    %reduce_sum3A_107 = arith.constant true
    %reduce_sum3A_108 = vector.broadcast %reduce_sum3A_107 : i1 to vector<16xi1>
    %reduce_sum3A_109 = tpu.scan <sum>, %select_n3A_106 masked %reduce_sum3A_108 : vector<16xi32>, vector<16xi1> -> vector<16xi32>
    %reduce_sum3A_110 = vector.extract %reduce_sum3A_109[15] : i32 from vector<16xi32>
    %add3A_111 = arith.constant 128 : i32
    %add3A_112 = arith.addi %scan3A_60, %add3A_111 : i32
    %sub3A_113 = arith.constant 1 : i32
    %sub3A_114 = arith.subi %add3A_112, %sub3A_113 : i32
    %div3A_115 = arith.constant 128 : i32
    %div3A_116 = arith.divsi %sub3A_114, %div3A_115 : i32
    %while3A_117 = arith.constant 0 : i32
    %while3A_118 = arith.constant 0 : i32
    %while3A_119 = arith.constant 0 : i32
    %while3A_120 = arith.subi %div3A_116, %while3A_119 : i32
    %while3A_121 = arith.addi %while3A_119, %while3A_120 : i32
    %while3A_122 = arith.constant 1 : i32
    %while3A_123 = arith.divsi %while3A_120, %while3A_122 : i32
    %while3A_124 = arith.muli %while3A_123, %while3A_122 : i32
    %while3A_125 = arith.addi %while3A_119, %while3A_124 : i32
    %while3A_126 = arith.constant 1 : i32
    scf.for %while3A_204 = %while3A_119 to %while3A_125 step %while3A_126  : i32 {
      %scan3A_205 = arith.constant 0 : i32
      %scan3A_206 = arith.constant 0 : i32
      %scan3A_207 = arith.constant 8 : i32
      %scan3A_208 = arith.addi %scan3A_206, %scan3A_207 : i32
      %scan3A_209 = arith.constant 1 : i32
      scf.for %scan3A_249 = %scan3A_206 to %scan3A_208 step %scan3A_209  : i32 {
        %mul3A_250 = arith.constant 8 : i32
        %mul3A_251 = arith.muli %while3A_204, %mul3A_250 : i32
        %add3A_252 = arith.addi %mul3A_251, %scan3A_249 : i32
        %mul3A_253 = arith.constant 16 : i32
        %mul3A_254 = arith.muli %add3A_252, %mul3A_253 : i32
        %get3A_255 = arith.index_cast %mul3A_254 : i32 to index
        %get3A_256 = tpu.vector_load %arg8[%get3A_255] {strides = array<i32>} : memref<16400xi32, #tpu.memory_space<vmem>>, vector<16xi32>,
        %mul3A_257 = arith.constant 16 : i32
        %mul3A_258 = arith.muli %add3A_252, %mul3A_257 : i32
        %get3A_259 = arith.index_cast %mul3A_258 : i32 to index
        %get3A_260 = tpu.vector_load %arg9[%get3A_259] {strides = array<i32>} : memref<16400xi32, #tpu.memory_space<vmem>>, vector<16xi32>,
        %mul3A_261 = arith.constant 16 : i32
        %mul3A_262 = arith.muli %add3A_252, %mul3A_261 : i32
        %sub3A_263 = arith.subi %scan3A_60, %mul3A_262 : i32
        %lt3A = vector.broadcast %sub3A_263 : i32 to vector<16xi32>
        %lt3A_264 = arith.cmpi slt, %iota3A, %lt3A : vector<16xi32>
        %sub3A_265 = vector.broadcast %multiple_of3A : i32 to vector<16xi32>
        %sub3A_266 = arith.subi %get3A_260, %sub3A_265 : vector<16xi32>
        %jit3A_267 = arith.constant 0 : i32
        %broadcast_in_dim3A_268 = vector.broadcast %jit3A_267 : i32 to vector<16xi32>
        %select_n3A_269 = arith.select %lt3A_264, %sub3A_266, %broadcast_in_dim3A_268 : vector<16xi1>, vector<16xi32>
        %gather3A_270 = tpu.vector_load_idx %arg11[%select_n3A_269] masked %lt3A_264 : memref<31256xi32, #tpu.memory_space<vmem>>[vector<16xi32>], vector<16xi32>, vector<16xi1>
        %broadcast_in_dim3A_271 = vector.broadcast %reduce_sum3A_110 : i32 to vector<16xi32>
        %select_n3A_272 = arith.select %lt3A_264, %gather3A_270, %broadcast_in_dim3A_271 : vector<16xi1>, vector<16xi32>
        %mul3A_273 = arith.constant 16 : i32
        %mul3A_274 = arith.muli %scan3A_249, %mul3A_273 : i32
        %swap3A = arith.index_cast %mul3A_274 : i32 to index
        %swap3A_275 = tpu.vector_load %arg13[%swap3A] {strides = array<i32>} : memref<128xi32, #tpu.memory_space<vmem>>, vector<16xi32>,
        tpu.vector_store %arg13[%swap3A], %select_n3A_272 {strides = array<i32>} : memref<128xi32, #tpu.memory_space<vmem>>, vector<16xi32>,
        %broadcast_in_dim3A_276 = vector.broadcast %reduce_sum3A_86 : i32 to vector<16xi32>
        %select_n3A_277 = arith.select %lt3A_264, %get3A_256, %broadcast_in_dim3A_276 : vector<16xi1>, vector<16xi32>
        %mul3A_278 = arith.constant 16 : i32
        %mul3A_279 = arith.muli %scan3A_249, %mul3A_278 : i32
        %swap3A_280 = arith.constant 0 : i32
        %swap3A_281 = arith.constant 0 : i32
        %swap3A_282 = arith.index_cast %swap3A_280 : i32 to index
        %swap3A_283 = arith.index_cast %swap3A_281 : i32 to index
        %swap3A_284 = arith.index_cast %mul3A_279 : i32 to index
        %swap3A_285 = tpu.vector_load %arg10[%swap3A_282, %swap3A_283, %swap3A_284] {strides = array<i32>} : memref<1x1x128xi32, #tpu.memory_space<vmem>>, vector<16xi32>,
        tpu.vector_store %arg10[%swap3A_282, %swap3A_283, %swap3A_284], %select_n3A_277 {strides = array<i32>} : memref<1x1x128xi32, #tpu.memory_space<vmem>>, vector<16xi32>,
      }
      %scan3A_210 = arith.constant 8 : i32
      %dma_start3A_211 = arith.constant 0 : i32
      %dma_start3A_212 = arith.constant 0 : i32
      %dma_start3A_213 = tpu.memref_slice %arg12[%while3A_118, %dma_start3A_211, %dma_start3A_212] : memref<2x1024x32xf32, #tpu.memory_space<vmem>> -> memref<1x128x32xf32, #tpu.memory_space<vmem>>
      %dma_start3A_214 = tpu.memref_squeeze %dma_start3A_213 : memref<1x128x32xf32, #tpu.memory_space<vmem>> -> memref<128x32xf32, #tpu.memory_space<vmem>>
      %dma_start3A_215 = arith.constant 0 : i32
      %dma_start3A_216 = arith.constant 0 : i32
      %dma_start3A_217 = tpu.memref_slice %arg4[%dma_start3A_215, %dma_start3A_216] : memref<16384x32xf32, #tpu.memory_space<hbm>> -> memref<16384x32xf32, #tpu.memory_space<hbm>>
      tpu.enqueue_indirect_dma source(%dma_start3A_217 : memref<16384x32xf32, #tpu.memory_space<hbm>>) target(%dma_start3A_214 : memref<128x32xf32, #tpu.memory_space<vmem>>) offsets(%arg13 : memref<128xi32, #tpu.memory_space<vmem>>) semaphore(%arg16 : memref<!tpu.dma_semaphore, #tpu.memory_space<semaphore_mem>>)
      %dma_wait3A_218 = arith.constant 0 : i32
      %dma_wait3A_219 = arith.constant 0 : i32
      %dma_wait3A_220 = tpu.memref_slice %arg12[%while3A_118, %dma_wait3A_218, %dma_wait3A_219] : memref<2x1024x32xf32, #tpu.memory_space<vmem>> -> memref<1x128x32xf32, #tpu.memory_space<vmem>>
      %dma_wait3A_221 = tpu.memref_squeeze %dma_wait3A_220 : memref<1x128x32xf32, #tpu.memory_space<vmem>> -> memref<128x32xf32, #tpu.memory_space<vmem>>
      %dma_wait3A_222 = arith.constant 0 : i32
      %dma_wait3A_223 = arith.constant 0 : i32
      %dma_wait3A_224 = tpu.memref_slice %arg4[%dma_wait3A_222, %dma_wait3A_223] : memref<16384x32xf32, #tpu.memory_space<hbm>> -> memref<16384x32xf32, #tpu.memory_space<hbm>>
      tpu.wait_indirect_dma semaphore(%arg16 : memref<!tpu.dma_semaphore, #tpu.memory_space<semaphore_mem>>) src(%dma_wait3A_224 : memref<16384x32xf32, #tpu.memory_space<hbm>>) dst(%dma_wait3A_221 : memref<128x32xf32, #tpu.memory_space<vmem>>)
      %dma_start3A_225 = arith.constant 0 : i32
      %dma_start3A_226 = arith.constant 0 : i32
      %dma_start3A_227 = arith.constant 0 : i32
      %dma_start3A_228 = arith.constant 0 : i32
      %dma_start3A_229 = tpu.memref_slice %arg12[%while3A_118, %dma_start3A_227, %dma_start3A_228] : memref<2x1024x32xf32, #tpu.memory_space<vmem>> -> memref<1x128x32xf32, #tpu.memory_space<vmem>>
      %dma_start3A_230 = tpu.memref_squeeze %dma_start3A_229 : memref<1x128x32xf32, #tpu.memory_space<vmem>> -> memref<128x32xf32, #tpu.memory_space<vmem>>
      %dma_start3A_231 = arith.constant 0 : i32
      %dma_start3A_232 = tpu.memref_slice %arg10[%dma_start3A_225, %dma_start3A_226, %dma_start3A_231] : memref<1x1x128xi32, #tpu.memory_space<vmem>> -> memref<1x1x128xi32, #tpu.memory_space<vmem>>
      %dma_start3A_233 = tpu.memref_squeeze %dma_start3A_232 : memref<1x1x128xi32, #tpu.memory_space<vmem>> -> memref<128xi32, #tpu.memory_space<vmem>>
      %dma_start3A_234 = arith.constant 0 : i32
      %dma_start3A_235 = arith.constant 0 : i32
      %dma_start3A_236 = tpu.memref_slice %arg6[%dma_start3A_234, %dma_start3A_235] : memref<16384x32xf32, #tpu.memory_space<hbm>> -> memref<16384x32xf32, #tpu.memory_space<hbm>>
      tpu.enqueue_indirect_dma source(%dma_start3A_230 : memref<128x32xf32, #tpu.memory_space<vmem>>) target(%dma_start3A_236 : memref<16384x32xf32, #tpu.memory_space<hbm>>) offsets(%dma_start3A_233 : memref<128xi32, #tpu.memory_space<vmem>>) semaphore(%arg17 : memref<!tpu.dma_semaphore, #tpu.memory_space<semaphore_mem>>)
      %dma_wait3A_237 = arith.constant 0 : i32
      %dma_wait3A_238 = arith.constant 0 : i32
      %dma_wait3A_239 = arith.constant 0 : i32
      %dma_wait3A_240 = arith.constant 0 : i32
      %dma_wait3A_241 = tpu.memref_slice %arg12[%while3A_118, %dma_wait3A_239, %dma_wait3A_240] : memref<2x1024x32xf32, #tpu.memory_space<vmem>> -> memref<1x128x32xf32, #tpu.memory_space<vmem>>
      %dma_wait3A_242 = tpu.memref_squeeze %dma_wait3A_241 : memref<1x128x32xf32, #tpu.memory_space<vmem>> -> memref<128x32xf32, #tpu.memory_space<vmem>>
      %dma_wait3A_243 = arith.constant 0 : i32
      %dma_wait3A_244 = tpu.memref_slice %arg10[%dma_wait3A_237, %dma_wait3A_238, %dma_wait3A_243] : memref<1x1x128xi32, #tpu.memory_space<vmem>> -> memref<1x1x128xi32, #tpu.memory_space<vmem>>
      %dma_wait3A_245 = tpu.memref_squeeze %dma_wait3A_244 : memref<1x1x128xi32, #tpu.memory_space<vmem>> -> memref<128xi32, #tpu.memory_space<vmem>>
      %dma_wait3A_246 = arith.constant 0 : i32
      %dma_wait3A_247 = arith.constant 0 : i32
      %dma_wait3A_248 = tpu.memref_slice %arg6[%dma_wait3A_246, %dma_wait3A_247] : memref<16384x32xf32, #tpu.memory_space<hbm>> -> memref<16384x32xf32, #tpu.memory_space<hbm>>
      tpu.wait_indirect_dma semaphore(%arg17 : memref<!tpu.dma_semaphore, #tpu.memory_space<semaphore_mem>>) src(%dma_wait3A_242 : memref<128x32xf32, #tpu.memory_space<vmem>>) dst(%dma_wait3A_248 : memref<16384x32xf32, #tpu.memory_space<hbm>>)
    }
    %while3A_127 = arith.constant 1 : i32
    scf.for %while3A_204 = %while3A_125 to %while3A_121 step %while3A_127  : i32 {
      %scan3A_205 = arith.constant 0 : i32
      %scan3A_206 = arith.constant 0 : i32
      %scan3A_207 = arith.constant 8 : i32
      %scan3A_208 = arith.addi %scan3A_206, %scan3A_207 : i32
      %scan3A_209 = arith.constant 1 : i32
      scf.for %scan3A_249 = %scan3A_206 to %scan3A_208 step %scan3A_209  : i32 {
        %mul3A_250 = arith.constant 8 : i32
        %mul3A_251 = arith.muli %while3A_204, %mul3A_250 : i32
        %add3A_252 = arith.addi %mul3A_251, %scan3A_249 : i32
        %mul3A_253 = arith.constant 16 : i32
        %mul3A_254 = arith.muli %add3A_252, %mul3A_253 : i32
        %get3A_255 = arith.index_cast %mul3A_254 : i32 to index
        %get3A_256 = tpu.vector_load %arg8[%get3A_255] {strides = array<i32>} : memref<16400xi32, #tpu.memory_space<vmem>>, vector<16xi32>,
        %mul3A_257 = arith.constant 16 : i32
        %mul3A_258 = arith.muli %add3A_252, %mul3A_257 : i32
        %get3A_259 = arith.index_cast %mul3A_258 : i32 to index
        %get3A_260 = tpu.vector_load %arg9[%get3A_259] {strides = array<i32>} : memref<16400xi32, #tpu.memory_space<vmem>>, vector<16xi32>,
        %mul3A_261 = arith.constant 16 : i32
        %mul3A_262 = arith.muli %add3A_252, %mul3A_261 : i32
        %sub3A_263 = arith.subi %scan3A_60, %mul3A_262 : i32
        %lt3A = vector.broadcast %sub3A_263 : i32 to vector<16xi32>
        %lt3A_264 = arith.cmpi slt, %iota3A, %lt3A : vector<16xi32>
        %sub3A_265 = vector.broadcast %multiple_of3A : i32 to vector<16xi32>
        %sub3A_266 = arith.subi %get3A_260, %sub3A_265 : vector<16xi32>
        %jit3A_267 = arith.constant 0 : i32
        %broadcast_in_dim3A_268 = vector.broadcast %jit3A_267 : i32 to vector<16xi32>
        %select_n3A_269 = arith.select %lt3A_264, %sub3A_266, %broadcast_in_dim3A_268 : vector<16xi1>, vector<16xi32>
        %gather3A_270 = tpu.vector_load_idx %arg11[%select_n3A_269] masked %lt3A_264 : memref<31256xi32, #tpu.memory_space<vmem>>[vector<16xi32>], vector<16xi32>, vector<16xi1>
        %broadcast_in_dim3A_271 = vector.broadcast %reduce_sum3A_110 : i32 to vector<16xi32>
        %select_n3A_272 = arith.select %lt3A_264, %gather3A_270, %broadcast_in_dim3A_271 : vector<16xi1>, vector<16xi32>
        %mul3A_273 = arith.constant 16 : i32
        %mul3A_274 = arith.muli %scan3A_249, %mul3A_273 : i32
        %swap3A = arith.index_cast %mul3A_274 : i32 to index
        %swap3A_275 = tpu.vector_load %arg13[%swap3A] {strides = array<i32>} : memref<128xi32, #tpu.memory_space<vmem>>, vector<16xi32>,
        tpu.vector_store %arg13[%swap3A], %select_n3A_272 {strides = array<i32>} : memref<128xi32, #tpu.memory_space<vmem>>, vector<16xi32>,
        %broadcast_in_dim3A_276 = vector.broadcast %reduce_sum3A_86 : i32 to vector<16xi32>
        %select_n3A_277 = arith.select %lt3A_264, %get3A_256, %broadcast_in_dim3A_276 : vector<16xi1>, vector<16xi32>
        %mul3A_278 = arith.constant 16 : i32
        %mul3A_279 = arith.muli %scan3A_249, %mul3A_278 : i32
        %swap3A_280 = arith.constant 0 : i32
        %swap3A_281 = arith.constant 0 : i32
        %swap3A_282 = arith.index_cast %swap3A_280 : i32 to index
        %swap3A_283 = arith.index_cast %swap3A_281 : i32 to index
        %swap3A_284 = arith.index_cast %mul3A_279 : i32 to index
        %swap3A_285 = tpu.vector_load %arg10[%swap3A_282, %swap3A_283, %swap3A_284] {strides = array<i32>} : memref<1x1x128xi32, #tpu.memory_space<vmem>>, vector<16xi32>,
        tpu.vector_store %arg10[%swap3A_282, %swap3A_283, %swap3A_284], %select_n3A_277 {strides = array<i32>} : memref<1x1x128xi32, #tpu.memory_space<vmem>>, vector<16xi32>,
      }
      %scan3A_210 = arith.constant 8 : i32
      %dma_start3A_211 = arith.constant 0 : i32
      %dma_start3A_212 = arith.constant 0 : i32
      %dma_start3A_213 = tpu.memref_slice %arg12[%while3A_118, %dma_start3A_211, %dma_start3A_212] : memref<2x1024x32xf32, #tpu.memory_space<vmem>> -> memref<1x128x32xf32, #tpu.memory_space<vmem>>
      %dma_start3A_214 = tpu.memref_squeeze %dma_start3A_213 : memref<1x128x32xf32, #tpu.memory_space<vmem>> -> memref<128x32xf32, #tpu.memory_space<vmem>>
      %dma_start3A_215 = arith.constant 0 : i32
      %dma_start3A_216 = arith.constant 0 : i32
      %dma_start3A_217 = tpu.memref_slice %arg4[%dma_start3A_215, %dma_start3A_216] : memref<16384x32xf32, #tpu.memory_space<hbm>> -> memref<16384x32xf32, #tpu.memory_space<hbm>>
      tpu.enqueue_indirect_dma source(%dma_start3A_217 : memref<16384x32xf32, #tpu.memory_space<hbm>>) target(%dma_start3A_214 : memref<128x32xf32, #tpu.memory_space<vmem>>) offsets(%arg13 : memref<128xi32, #tpu.memory_space<vmem>>) semaphore(%arg16 : memref<!tpu.dma_semaphore, #tpu.memory_space<semaphore_mem>>)
      %dma_wait3A_218 = arith.constant 0 : i32
      %dma_wait3A_219 = arith.constant 0 : i32
      %dma_wait3A_220 = tpu.memref_slice %arg12[%while3A_118, %dma_wait3A_218, %dma_wait3A_219] : memref<2x1024x32xf32, #tpu.memory_space<vmem>> -> memref<1x128x32xf32, #tpu.memory_space<vmem>>
      %dma_wait3A_221 = tpu.memref_squeeze %dma_wait3A_220 : memref<1x128x32xf32, #tpu.memory_space<vmem>> -> memref<128x32xf32, #tpu.memory_space<vmem>>
      %dma_wait3A_222 = arith.constant 0 : i32
      %dma_wait3A_223 = arith.constant 0 : i32
      %dma_wait3A_224 = tpu.memref_slice %arg4[%dma_wait3A_222, %dma_wait3A_223] : memref<16384x32xf32, #tpu.memory_space<hbm>> -> memref<16384x32xf32, #tpu.memory_space<hbm>>
      tpu.wait_indirect_dma semaphore(%arg16 : memref<!tpu.dma_semaphore, #tpu.memory_space<semaphore_mem>>) src(%dma_wait3A_224 : memref<16384x32xf32, #tpu.memory_space<hbm>>) dst(%dma_wait3A_221 : memref<128x32xf32, #tpu.memory_space<vmem>>)
      %dma_start3A_225 = arith.constant 0 : i32
      %dma_start3A_226 = arith.constant 0 : i32
      %dma_start3A_227 = arith.constant 0 : i32
      %dma_start3A_228 = arith.constant 0 : i32
      %dma_start3A_229 = tpu.memref_slice %arg12[%while3A_118, %dma_start3A_227, %dma_start3A_228] : memref<2x1024x32xf32, #tpu.memory_space<vmem>> -> memref<1x128x32xf32, #tpu.memory_space<vmem>>
      %dma_start3A_230 = tpu.memref_squeeze %dma_start3A_229 : memref<1x128x32xf32, #tpu.memory_space<vmem>> -> memref<128x32xf32, #tpu.memory_space<vmem>>
      %dma_start3A_231 = arith.constant 0 : i32
      %dma_start3A_232 = tpu.memref_slice %arg10[%dma_start3A_225, %dma_start3A_226, %dma_start3A_231] : memref<1x1x128xi32, #tpu.memory_space<vmem>> -> memref<1x1x128xi32, #tpu.memory_space<vmem>>
      %dma_start3A_233 = tpu.memref_squeeze %dma_start3A_232 : memref<1x1x128xi32, #tpu.memory_space<vmem>> -> memref<128xi32, #tpu.memory_space<vmem>>
      %dma_start3A_234 = arith.constant 0 : i32
      %dma_start3A_235 = arith.constant 0 : i32
      %dma_start3A_236 = tpu.memref_slice %arg6[%dma_start3A_234, %dma_start3A_235] : memref<16384x32xf32, #tpu.memory_space<hbm>> -> memref<16384x32xf32, #tpu.memory_space<hbm>>
      tpu.enqueue_indirect_dma source(%dma_start3A_230 : memref<128x32xf32, #tpu.memory_space<vmem>>) target(%dma_start3A_236 : memref<16384x32xf32, #tpu.memory_space<hbm>>) offsets(%dma_start3A_233 : memref<128xi32, #tpu.memory_space<vmem>>) semaphore(%arg17 : memref<!tpu.dma_semaphore, #tpu.memory_space<semaphore_mem>>)
      %dma_wait3A_237 = arith.constant 0 : i32
      %dma_wait3A_238 = arith.constant 0 : i32
      %dma_wait3A_239 = arith.constant 0 : i32
      %dma_wait3A_240 = arith.constant 0 : i32
      %dma_wait3A_241 = tpu.memref_slice %arg12[%while3A_118, %dma_wait3A_239, %dma_wait3A_240] : memref<2x1024x32xf32, #tpu.memory_space<vmem>> -> memref<1x128x32xf32, #tpu.memory_space<vmem>>
      %dma_wait3A_242 = tpu.memref_squeeze %dma_wait3A_241 : memref<1x128x32xf32, #tpu.memory_space<vmem>> -> memref<128x32xf32, #tpu.memory_space<vmem>>
      %dma_wait3A_243 = arith.constant 0 : i32
      %dma_wait3A_244 = tpu.memref_slice %arg10[%dma_wait3A_237, %dma_wait3A_238, %dma_wait3A_243] : memref<1x1x128xi32, #tpu.memory_space<vmem>> -> memref<1x1x128xi32, #tpu.memory_space<vmem>>
      %dma_wait3A_245 = tpu.memref_squeeze %dma_wait3A_244 : memref<1x1x128xi32, #tpu.memory_space<vmem>> -> memref<128xi32, #tpu.memory_space<vmem>>
      %dma_wait3A_246 = arith.constant 0 : i32
      %dma_wait3A_247 = arith.constant 0 : i32
      %dma_wait3A_248 = tpu.memref_slice %arg6[%dma_wait3A_246, %dma_wait3A_247] : memref<16384x32xf32, #tpu.memory_space<hbm>> -> memref<16384x32xf32, #tpu.memory_space<hbm>>
      tpu.wait_indirect_dma semaphore(%arg17 : memref<!tpu.dma_semaphore, #tpu.memory_space<semaphore_mem>>) src(%dma_wait3A_242 : memref<128x32xf32, #tpu.memory_space<vmem>>) dst(%dma_wait3A_248 : memref<16384x32xf32, #tpu.memory_space<hbm>>)
    }
    %while3A_128 = arith.constant 0 : i32
    %while3A_129 = arith.constant 0 : i32
    %while3A_130 = arith.subi %div3A_67, %while3A_128 : i32
    %while3A_131 = arith.addi %while3A_128, %while3A_130 : i32
    %while3A_132 = arith.constant 1 : i32
    %while3A_133 = arith.divsi %while3A_130, %while3A_132 : i32
    %while3A_134 = arith.muli %while3A_133, %while3A_132 : i32
    %while3A_135 = arith.addi %while3A_128, %while3A_134 : i32
    %while3A_136 = arith.constant 1 : i32
    %while3A_137 = scf.for %while3A_204 = %while3A_128 to %while3A_135 step %while3A_136 iter_args(%while3A_205 = %while3A_129) -> (i32)  : i32 {
      %mul3A_206 = arith.constant 16 : i32
      %mul3A_207 = arith.muli %while3A_204, %mul3A_206 : i32
      %get3A_208 = arith.index_cast %mul3A_207 : i32 to index
      %get3A_209 = tpu.vector_load %arg8[%get3A_208] {strides = array<i32>} : memref<16400xi32, #tpu.memory_space<vmem>>, vector<16xi32>,
      %mul3A_210 = arith.constant 16 : i32
      %mul3A_211 = arith.muli %while3A_204, %mul3A_210 : i32
      %get3A_212 = arith.index_cast %mul3A_211 : i32 to index
      %get3A_213 = tpu.vector_load %arg9[%get3A_212] {strides = array<i32>} : memref<16400xi32, #tpu.memory_space<vmem>>, vector<16xi32>,
      %mul3A_214 = arith.constant 16 : i32
      %mul3A_215 = arith.muli %while3A_204, %mul3A_214 : i32
      %sub3A_216 = arith.subi %scan3A_60, %mul3A_215 : i32
      %lt3A = vector.broadcast %sub3A_216 : i32 to vector<16xi32>
      %lt3A_217 = arith.cmpi slt, %iota3A, %lt3A : vector<16xi32>
      %sub3A_218 = vector.broadcast %multiple_of3A : i32 to vector<16xi32>
      %sub3A_219 = arith.subi %get3A_213, %sub3A_218 : vector<16xi32>
      %jit3A_220 = arith.constant 0 : i32
      %broadcast_in_dim3A_221 = vector.broadcast %jit3A_220 : i32 to vector<16xi32>
      %select_n3A_222 = arith.select %lt3A_217, %sub3A_219, %broadcast_in_dim3A_221 : vector<16xi1>, vector<16xi32>
      %gather3A_223 = tpu.vector_load_idx %arg11[%select_n3A_222] masked %lt3A_217 : memref<31256xi32, #tpu.memory_space<vmem>>[vector<16xi32>], vector<16xi32>, vector<16xi1>
      %eq3A_224 = arith.cmpi eq, %gather3A_223, %get3A_209 : vector<16xi32>
      %and3A = arith.andi %lt3A_217, %eq3A_224 : vector<16xi1>
      %swap3A = arith.index_cast %while3A_205 : i32 to index
      %swap3A_225 = tpu.vector_load %arg8[%swap3A] masked %and3A {strides = array<i32>} : memref<16400xi32, #tpu.memory_space<vmem>>, vector<16xi32>, vector<16xi1>
      tpu.vector_store %arg8[%swap3A], %get3A_209 masked %and3A {strides = array<i32>} : memref<16400xi32, #tpu.memory_space<vmem>>, vector<16xi32>, vector<16xi1>
      %swap3A_226 = arith.index_cast %while3A_205 : i32 to index
      %swap3A_227 = tpu.vector_load %arg9[%swap3A_226] masked %and3A {strides = array<i32>} : memref<16400xi32, #tpu.memory_space<vmem>>, vector<16xi32>, vector<16xi1>
      tpu.vector_store %arg9[%swap3A_226], %get3A_213 masked %and3A {strides = array<i32>} : memref<16400xi32, #tpu.memory_space<vmem>>, vector<16xi32>, vector<16xi1>
      %all_reduce_population_count3A = tpu.all_reduce %and3A {dim = 0 : i64, kind = #tpu.reduction_kind<sum>} : vector<16xi1> -> vector<16xi32>
      %reduce_max3A = arith.constant true
      %reduce_max3A_228 = vector.broadcast %reduce_max3A : i1 to vector<16xi1>
      %reduce_max3A_229 = arith.constant -2147483648 : i32
      %reduce_max3A_230 = vector.broadcast %reduce_max3A_229 : i32 to vector<16xi32>
      %reduce_max3A_231 = arith.xori %all_reduce_population_count3A, %reduce_max3A_230 : vector<16xi32>
      %reduce_max3A_232 = tpu.scan <max>, %reduce_max3A_231 masked %reduce_max3A_228 : vector<16xi32>, vector<16xi1> -> vector<16xi32>
      %reduce_max3A_233 = arith.xori %reduce_max3A_232, %reduce_max3A_230 : vector<16xi32>
      %reduce_max3A_234 = vector.extract %reduce_max3A_233[15] : i32 from vector<16xi32>
      %add3A_235 = arith.addi %while3A_205, %reduce_max3A_234 : i32
      scf.yield %add3A_235 : i32
    }
    %while3A_138 = arith.constant 1 : i32
    %while3A_139 = scf.for %while3A_204 = %while3A_135 to %while3A_131 step %while3A_138 iter_args(%while3A_205 = %while3A_137) -> (i32)  : i32 {
      %mul3A_206 = arith.constant 16 : i32
      %mul3A_207 = arith.muli %while3A_204, %mul3A_206 : i32
      %get3A_208 = arith.index_cast %mul3A_207 : i32 to index
      %get3A_209 = tpu.vector_load %arg8[%get3A_208] {strides = array<i32>} : memref<16400xi32, #tpu.memory_space<vmem>>, vector<16xi32>,
      %mul3A_210 = arith.constant 16 : i32
      %mul3A_211 = arith.muli %while3A_204, %mul3A_210 : i32
      %get3A_212 = arith.index_cast %mul3A_211 : i32 to index
      %get3A_213 = tpu.vector_load %arg9[%get3A_212] {strides = array<i32>} : memref<16400xi32, #tpu.memory_space<vmem>>, vector<16xi32>,
      %mul3A_214 = arith.constant 16 : i32
      %mul3A_215 = arith.muli %while3A_204, %mul3A_214 : i32
      %sub3A_216 = arith.subi %scan3A_60, %mul3A_215 : i32
      %lt3A = vector.broadcast %sub3A_216 : i32 to vector<16xi32>
      %lt3A_217 = arith.cmpi slt, %iota3A, %lt3A : vector<16xi32>
      %sub3A_218 = vector.broadcast %multiple_of3A : i32 to vector<16xi32>
      %sub3A_219 = arith.subi %get3A_213, %sub3A_218 : vector<16xi32>
      %jit3A_220 = arith.constant 0 : i32
      %broadcast_in_dim3A_221 = vector.broadcast %jit3A_220 : i32 to vector<16xi32>
      %select_n3A_222 = arith.select %lt3A_217, %sub3A_219, %broadcast_in_dim3A_221 : vector<16xi1>, vector<16xi32>
      %gather3A_223 = tpu.vector_load_idx %arg11[%select_n3A_222] masked %lt3A_217 : memref<31256xi32, #tpu.memory_space<vmem>>[vector<16xi32>], vector<16xi32>, vector<16xi1>
      %eq3A_224 = arith.cmpi eq, %gather3A_223, %get3A_209 : vector<16xi32>
      %and3A = arith.andi %lt3A_217, %eq3A_224 : vector<16xi1>
      %swap3A = arith.index_cast %while3A_205 : i32 to index
      %swap3A_225 = tpu.vector_load %arg8[%swap3A] masked %and3A {strides = array<i32>} : memref<16400xi32, #tpu.memory_space<vmem>>, vector<16xi32>, vector<16xi1>
      tpu.vector_store %arg8[%swap3A], %get3A_209 masked %and3A {strides = array<i32>} : memref<16400xi32, #tpu.memory_space<vmem>>, vector<16xi32>, vector<16xi1>
      %swap3A_226 = arith.index_cast %while3A_205 : i32 to index
      %swap3A_227 = tpu.vector_load %arg9[%swap3A_226] masked %and3A {strides = array<i32>} : memref<16400xi32, #tpu.memory_space<vmem>>, vector<16xi32>, vector<16xi1>
      tpu.vector_store %arg9[%swap3A_226], %get3A_213 masked %and3A {strides = array<i32>} : memref<16400xi32, #tpu.memory_space<vmem>>, vector<16xi32>, vector<16xi1>
      %all_reduce_population_count3A = tpu.all_reduce %and3A {dim = 0 : i64, kind = #tpu.reduction_kind<sum>} : vector<16xi1> -> vector<16xi32>
      %reduce_max3A = arith.constant true
      %reduce_max3A_228 = vector.broadcast %reduce_max3A : i1 to vector<16xi1>
      %reduce_max3A_229 = arith.constant -2147483648 : i32
      %reduce_max3A_230 = vector.broadcast %reduce_max3A_229 : i32 to vector<16xi32>
      %reduce_max3A_231 = arith.xori %all_reduce_population_count3A, %reduce_max3A_230 : vector<16xi32>
      %reduce_max3A_232 = tpu.scan <max>, %reduce_max3A_231 masked %reduce_max3A_228 : vector<16xi32>, vector<16xi1> -> vector<16xi32>
      %reduce_max3A_233 = arith.xori %reduce_max3A_232, %reduce_max3A_230 : vector<16xi32>
      %reduce_max3A_234 = vector.extract %reduce_max3A_233[15] : i32 from vector<16xi32>
      %add3A_235 = arith.addi %while3A_205, %reduce_max3A_234 : i32
      scf.yield %add3A_235 : i32
    }
    %add3A_140 = arith.constant 128 : i32
    %add3A_141 = arith.addi %while3A_139, %add3A_140 : i32
    %sub3A_142 = arith.constant 1 : i32
    %sub3A_143 = arith.subi %add3A_141, %sub3A_142 : i32
    %div3A_144 = arith.constant 128 : i32
    %div3A_145 = arith.divsi %sub3A_143, %div3A_144 : i32
    %mul3A_146 = arith.constant 128 : i32
    %mul3A_147 = arith.muli %div3A_145, %mul3A_146 : i32
    %get3A_148 = arith.constant 0 : index
    %get3A_149 = tpu.vector_load %arg8[%get3A_148] {strides = array<i32>} : memref<16400xi32, #tpu.memory_space<vmem>>, vector<16xi32>,
    %iota3A_150 = tpu.iota {dimensions = array<i32: 0>} : vector<16xi32>
    %eq3A_151 = arith.constant 0 : i32
    %eq3A_152 = vector.broadcast %eq3A_151 : i32 to vector<16xi32>
    %eq3A_153 = arith.cmpi eq, %iota3A_150, %eq3A_152 : vector<16xi32>
    %jit3A_154 = arith.constant 0 : i32
    %broadcast_in_dim3A_155 = vector.broadcast %jit3A_154 : i32 to vector<16xi32>
    %select_n3A_156 = arith.select %eq3A_153, %get3A_149, %broadcast_in_dim3A_155 : vector<16xi1>, vector<16xi32>
    %reduce_sum3A_157 = arith.constant true
    %reduce_sum3A_158 = vector.broadcast %reduce_sum3A_157 : i1 to vector<16xi1>
    %reduce_sum3A_159 = tpu.scan <sum>, %select_n3A_156 masked %reduce_sum3A_158 : vector<16xi32>, vector<16xi1> -> vector<16xi32>
    %reduce_sum3A_160 = vector.extract %reduce_sum3A_159[15] : i32 from vector<16xi32>
    %get3A_161 = arith.constant 0 : index
    %get3A_162 = tpu.vector_load %arg9[%get3A_161] {strides = array<i32>} : memref<16400xi32, #tpu.memory_space<vmem>>, vector<16xi32>,
    %iota3A_163 = tpu.iota {dimensions = array<i32: 0>} : vector<16xi32>
    %eq3A_164 = arith.constant 0 : i32
    %eq3A_165 = vector.broadcast %eq3A_164 : i32 to vector<16xi32>
    %eq3A_166 = arith.cmpi eq, %iota3A_163, %eq3A_165 : vector<16xi32>
    %jit3A_167 = arith.constant 0 : i32
    %broadcast_in_dim3A_168 = vector.broadcast %jit3A_167 : i32 to vector<16xi32>
    %select_n3A_169 = arith.select %eq3A_166, %get3A_162, %broadcast_in_dim3A_168 : vector<16xi1>, vector<16xi32>
    %reduce_sum3A_170 = arith.constant true
    %reduce_sum3A_171 = vector.broadcast %reduce_sum3A_170 : i1 to vector<16xi1>
    %reduce_sum3A_172 = tpu.scan <sum>, %select_n3A_169 masked %reduce_sum3A_171 : vector<16xi32>, vector<16xi1> -> vector<16xi32>
    %reduce_sum3A_173 = vector.extract %reduce_sum3A_172[15] : i32 from vector<16xi32>
    %div3A_174 = arith.constant 16 : i32
    %div3A_175 = arith.divsi %while3A_139, %div3A_174 : i32
    %add3A_176 = arith.constant 16 : i32
    %add3A_177 = arith.addi %mul3A_147, %add3A_176 : i32
    %sub3A_178 = arith.constant 1 : i32
    %sub3A_179 = arith.subi %add3A_177, %sub3A_178 : i32
    %div3A_180 = arith.constant 16 : i32
    %div3A_181 = arith.divsi %sub3A_179, %div3A_180 : i32
    %while3A_182 = arith.constant 0 : i32
    %while3A_183 = arith.subi %div3A_181, %div3A_175 : i32
    %while3A_184 = arith.addi %div3A_175, %while3A_183 : i32
    %while3A_185 = arith.constant 1 : i32
    %while3A_186 = arith.divsi %while3A_183, %while3A_185 : i32
    %while3A_187 = arith.muli %while3A_186, %while3A_185 : i32
    %while3A_188 = arith.addi %div3A_175, %while3A_187 : i32
    %while3A_189 = arith.constant 1 : i32
    scf.for %while3A_204 = %div3A_175 to %while3A_188 step %while3A_189  : i32 {
      %mul3A_205 = arith.constant 16 : i32
      %mul3A_206 = arith.muli %while3A_204, %mul3A_205 : i32
      %add3A_207 = vector.broadcast %mul3A_206 : i32 to vector<16xi32>
      %add3A_208 = arith.addi %add3A_207, %iota3A : vector<16xi32>
      %lt3A = vector.broadcast %while3A_139 : i32 to vector<16xi32>
      %lt3A_209 = arith.cmpi slt, %add3A_208, %lt3A : vector<16xi32>
      %mul3A_210 = arith.constant 16 : i32
      %mul3A_211 = arith.muli %while3A_204, %mul3A_210 : i32
      %get3A_212 = arith.index_cast %mul3A_211 : i32 to index
      %get3A_213 = tpu.vector_load %arg8[%get3A_212] {strides = array<i32>} : memref<16400xi32, #tpu.memory_space<vmem>>, vector<16xi32>,
      %mul3A_214 = arith.constant 16 : i32
      %mul3A_215 = arith.muli %while3A_204, %mul3A_214 : i32
      %get3A_216 = arith.index_cast %mul3A_215 : i32 to index
      %get3A_217 = tpu.vector_load %arg9[%get3A_216] {strides = array<i32>} : memref<16400xi32, #tpu.memory_space<vmem>>, vector<16xi32>,
      %broadcast_in_dim3A_218 = vector.broadcast %reduce_sum3A_160 : i32 to vector<16xi32>
      %select_n3A_219 = arith.select %lt3A_209, %get3A_213, %broadcast_in_dim3A_218 : vector<16xi1>, vector<16xi32>
      %mul3A_220 = arith.constant 16 : i32
      %mul3A_221 = arith.muli %while3A_204, %mul3A_220 : i32
      %swap3A = arith.index_cast %mul3A_221 : i32 to index
      %swap3A_222 = tpu.vector_load %arg8[%swap3A] {strides = array<i32>} : memref<16400xi32, #tpu.memory_space<vmem>>, vector<16xi32>,
      tpu.vector_store %arg8[%swap3A], %select_n3A_219 {strides = array<i32>} : memref<16400xi32, #tpu.memory_space<vmem>>, vector<16xi32>,
      %broadcast_in_dim3A_223 = vector.broadcast %reduce_sum3A_173 : i32 to vector<16xi32>
      %select_n3A_224 = arith.select %lt3A_209, %get3A_217, %broadcast_in_dim3A_223 : vector<16xi1>, vector<16xi32>
      %mul3A_225 = arith.constant 16 : i32
      %mul3A_226 = arith.muli %while3A_204, %mul3A_225 : i32
      %swap3A_227 = arith.index_cast %mul3A_226 : i32 to index
      %swap3A_228 = tpu.vector_load %arg9[%swap3A_227] {strides = array<i32>} : memref<16400xi32, #tpu.memory_space<vmem>>, vector<16xi32>,
      tpu.vector_store %arg9[%swap3A_227], %select_n3A_224 {strides = array<i32>} : memref<16400xi32, #tpu.memory_space<vmem>>, vector<16xi32>,
    }
    %while3A_190 = arith.constant 1 : i32
    scf.for %while3A_204 = %while3A_188 to %while3A_184 step %while3A_190  : i32 {
      %mul3A_205 = arith.constant 16 : i32
      %mul3A_206 = arith.muli %while3A_204, %mul3A_205 : i32
      %add3A_207 = vector.broadcast %mul3A_206 : i32 to vector<16xi32>
      %add3A_208 = arith.addi %add3A_207, %iota3A : vector<16xi32>
      %lt3A = vector.broadcast %while3A_139 : i32 to vector<16xi32>
      %lt3A_209 = arith.cmpi slt, %add3A_208, %lt3A : vector<16xi32>
      %mul3A_210 = arith.constant 16 : i32
      %mul3A_211 = arith.muli %while3A_204, %mul3A_210 : i32
      %get3A_212 = arith.index_cast %mul3A_211 : i32 to index
      %get3A_213 = tpu.vector_load %arg8[%get3A_212] {strides = array<i32>} : memref<16400xi32, #tpu.memory_space<vmem>>, vector<16xi32>,
      %mul3A_214 = arith.constant 16 : i32
      %mul3A_215 = arith.muli %while3A_204, %mul3A_214 : i32
      %get3A_216 = arith.index_cast %mul3A_215 : i32 to index
      %get3A_217 = tpu.vector_load %arg9[%get3A_216] {strides = array<i32>} : memref<16400xi32, #tpu.memory_space<vmem>>, vector<16xi32>,
      %broadcast_in_dim3A_218 = vector.broadcast %reduce_sum3A_160 : i32 to vector<16xi32>
      %select_n3A_219 = arith.select %lt3A_209, %get3A_213, %broadcast_in_dim3A_218 : vector<16xi1>, vector<16xi32>
      %mul3A_220 = arith.constant 16 : i32
      %mul3A_221 = arith.muli %while3A_204, %mul3A_220 : i32
      %swap3A = arith.index_cast %mul3A_221 : i32 to index
      %swap3A_222 = tpu.vector_load %arg8[%swap3A] {strides = array<i32>} : memref<16400xi32, #tpu.memory_space<vmem>>, vector<16xi32>,
      tpu.vector_store %arg8[%swap3A], %select_n3A_219 {strides = array<i32>} : memref<16400xi32, #tpu.memory_space<vmem>>, vector<16xi32>,
      %broadcast_in_dim3A_223 = vector.broadcast %reduce_sum3A_173 : i32 to vector<16xi32>
      %select_n3A_224 = arith.select %lt3A_209, %get3A_217, %broadcast_in_dim3A_223 : vector<16xi1>, vector<16xi32>
      %mul3A_225 = arith.constant 16 : i32
      %mul3A_226 = arith.muli %while3A_204, %mul3A_225 : i32
      %swap3A_227 = arith.index_cast %mul3A_226 : i32 to index
      %swap3A_228 = tpu.vector_load %arg9[%swap3A_227] {strides = array<i32>} : memref<16400xi32, #tpu.memory_space<vmem>>, vector<16xi32>,
      tpu.vector_store %arg9[%swap3A_227], %select_n3A_224 {strides = array<i32>} : memref<16400xi32, #tpu.memory_space<vmem>>, vector<16xi32>,
    }
    %div3A_191 = arith.constant 128 : i32
    %div3A_192 = arith.divsi %mul3A_147, %div3A_191 : i32
    %while3A_193 = arith.constant 0 : i32
    %while3A_194 = arith.constant 0 : i32
    %while3A_195 = arith.constant 0 : i32
    %while3A_196 = arith.subi %div3A_192, %while3A_195 : i32
    %while3A_197 = arith.addi %while3A_195, %while3A_196 : i32
    %while3A_198 = arith.constant 1 : i32
    %while3A_199 = arith.divsi %while3A_196, %while3A_198 : i32
    %while3A_200 = arith.muli %while3A_199, %while3A_198 : i32
    %while3A_201 = arith.addi %while3A_195, %while3A_200 : i32
    %while3A_202 = arith.constant 1 : i32
    scf.for %while3A_204 = %while3A_195 to %while3A_201 step %while3A_202  : i32 {
      %scan3A_205 = arith.constant 0 : i32
      %scan3A_206 = arith.constant 0 : i32
      %scan3A_207 = arith.constant 8 : i32
      %scan3A_208 = arith.addi %scan3A_206, %scan3A_207 : i32
      %scan3A_209 = arith.constant 1 : i32
      scf.for %scan3A_253 = %scan3A_206 to %scan3A_208 step %scan3A_209  : i32 {
        %mul3A_254 = arith.constant 8 : i32
        %mul3A_255 = arith.muli %while3A_204, %mul3A_254 : i32
        %add3A_256 = arith.addi %mul3A_255, %scan3A_253 : i32
        %mul3A_257 = arith.constant 16 : i32
        %mul3A_258 = arith.muli %add3A_256, %mul3A_257 : i32
        %get3A_259 = arith.index_cast %mul3A_258 : i32 to index
        %get3A_260 = tpu.vector_load %arg9[%get3A_259] {strides = array<i32>} : memref<16400xi32, #tpu.memory_space<vmem>>, vector<16xi32>,
        %mul3A_261 = arith.constant 16 : i32
        %mul3A_262 = arith.muli %scan3A_253, %mul3A_261 : i32
        %swap3A = arith.constant 0 : i32
        %swap3A_263 = arith.constant 0 : i32
        %swap3A_264 = arith.index_cast %swap3A : i32 to index
        %swap3A_265 = arith.index_cast %swap3A_263 : i32 to index
        %swap3A_266 = arith.index_cast %mul3A_262 : i32 to index
        %swap3A_267 = tpu.vector_load %arg10[%swap3A_264, %swap3A_265, %swap3A_266] {strides = array<i32>} : memref<1x1x128xi32, #tpu.memory_space<vmem>>, vector<16xi32>,
        tpu.vector_store %arg10[%swap3A_264, %swap3A_265, %swap3A_266], %get3A_260 {strides = array<i32>} : memref<1x1x128xi32, #tpu.memory_space<vmem>>, vector<16xi32>,
      }
      %scan3A_210 = arith.constant 8 : i32
      %mul3A_211 = arith.constant 128 : i32
      %mul3A_212 = arith.muli %while3A_204, %mul3A_211 : i32
      %dma_start3A_213 = arith.constant 0 : i32
      %dma_start3A_214 = arith.constant 0 : i32
      %dma_start3A_215 = tpu.memref_slice %arg12[%while3A_194, %dma_start3A_213, %dma_start3A_214] : memref<2x1024x32xf32, #tpu.memory_space<vmem>> -> memref<1x128x32xf32, #tpu.memory_space<vmem>>
      %dma_start3A_216 = tpu.memref_squeeze %dma_start3A_215 : memref<1x128x32xf32, #tpu.memory_space<vmem>> -> memref<128x32xf32, #tpu.memory_space<vmem>>
      %dma_start3A_217 = tpu.memref_slice %arg8[%mul3A_212] : memref<16400xi32, #tpu.memory_space<vmem>> -> memref<128xi32, #tpu.memory_space<vmem>>
      %dma_start3A_218 = arith.constant 0 : i32
      %dma_start3A_219 = arith.constant 0 : i32
      %dma_start3A_220 = tpu.memref_slice %arg4[%dma_start3A_218, %dma_start3A_219] : memref<16384x32xf32, #tpu.memory_space<hbm>> -> memref<16384x32xf32, #tpu.memory_space<hbm>>
      tpu.enqueue_indirect_dma source(%dma_start3A_220 : memref<16384x32xf32, #tpu.memory_space<hbm>>) target(%dma_start3A_216 : memref<128x32xf32, #tpu.memory_space<vmem>>) offsets(%dma_start3A_217 : memref<128xi32, #tpu.memory_space<vmem>>) semaphore(%arg16 : memref<!tpu.dma_semaphore, #tpu.memory_space<semaphore_mem>>)
      %dma_wait3A_221 = arith.constant 0 : i32
      %dma_wait3A_222 = arith.constant 0 : i32
      %dma_wait3A_223 = tpu.memref_slice %arg12[%while3A_194, %dma_wait3A_221, %dma_wait3A_222] : memref<2x1024x32xf32, #tpu.memory_space<vmem>> -> memref<1x128x32xf32, #tpu.memory_space<vmem>>
      %dma_wait3A_224 = tpu.memref_squeeze %dma_wait3A_223 : memref<1x128x32xf32, #tpu.memory_space<vmem>> -> memref<128x32xf32, #tpu.memory_space<vmem>>
      %dma_wait3A_225 = tpu.memref_slice %arg8[%mul3A_212] : memref<16400xi32, #tpu.memory_space<vmem>> -> memref<128xi32, #tpu.memory_space<vmem>>
      %dma_wait3A_226 = arith.constant 0 : i32
      %dma_wait3A_227 = arith.constant 0 : i32
      %dma_wait3A_228 = tpu.memref_slice %arg4[%dma_wait3A_226, %dma_wait3A_227] : memref<16384x32xf32, #tpu.memory_space<hbm>> -> memref<16384x32xf32, #tpu.memory_space<hbm>>
      tpu.wait_indirect_dma semaphore(%arg16 : memref<!tpu.dma_semaphore, #tpu.memory_space<semaphore_mem>>) src(%dma_wait3A_228 : memref<16384x32xf32, #tpu.memory_space<hbm>>) dst(%dma_wait3A_224 : memref<128x32xf32, #tpu.memory_space<vmem>>)
      %dma_start3A_229 = arith.constant 0 : i32
      %dma_start3A_230 = arith.constant 0 : i32
      %dma_start3A_231 = arith.constant 0 : i32
      %dma_start3A_232 = arith.constant 0 : i32
      %dma_start3A_233 = tpu.memref_slice %arg12[%while3A_194, %dma_start3A_231, %dma_start3A_232] : memref<2x1024x32xf32, #tpu.memory_space<vmem>> -> memref<1x128x32xf32, #tpu.memory_space<vmem>>
      %dma_start3A_234 = tpu.memref_squeeze %dma_start3A_233 : memref<1x128x32xf32, #tpu.memory_space<vmem>> -> memref<128x32xf32, #tpu.memory_space<vmem>>
      %dma_start3A_235 = arith.constant 0 : i32
      %dma_start3A_236 = tpu.memref_slice %arg10[%dma_start3A_229, %dma_start3A_230, %dma_start3A_235] : memref<1x1x128xi32, #tpu.memory_space<vmem>> -> memref<1x1x128xi32, #tpu.memory_space<vmem>>
      %dma_start3A_237 = tpu.memref_squeeze %dma_start3A_236 : memref<1x1x128xi32, #tpu.memory_space<vmem>> -> memref<128xi32, #tpu.memory_space<vmem>>
      %dma_start3A_238 = arith.constant 0 : i32
      %dma_start3A_239 = arith.constant 0 : i32
      %dma_start3A_240 = tpu.memref_slice %arg5[%dma_start3A_238, %dma_start3A_239] : memref<1000000x32xf32, #tpu.memory_space<hbm>> -> memref<1000000x32xf32, #tpu.memory_space<hbm>>
      tpu.enqueue_indirect_dma source(%dma_start3A_234 : memref<128x32xf32, #tpu.memory_space<vmem>>) target(%dma_start3A_240 : memref<1000000x32xf32, #tpu.memory_space<hbm>>) offsets(%dma_start3A_237 : memref<128xi32, #tpu.memory_space<vmem>>) semaphore(%arg17 : memref<!tpu.dma_semaphore, #tpu.memory_space<semaphore_mem>>)
      %dma_wait3A_241 = arith.constant 0 : i32
      %dma_wait3A_242 = arith.constant 0 : i32
      %dma_wait3A_243 = arith.constant 0 : i32
      %dma_wait3A_244 = arith.constant 0 : i32
      %dma_wait3A_245 = tpu.memref_slice %arg12[%while3A_194, %dma_wait3A_243, %dma_wait3A_244] : memref<2x1024x32xf32, #tpu.memory_space<vmem>> -> memref<1x128x32xf32, #tpu.memory_space<vmem>>
      %dma_wait3A_246 = tpu.memref_squeeze %dma_wait3A_245 : memref<1x128x32xf32, #tpu.memory_space<vmem>> -> memref<128x32xf32, #tpu.memory_space<vmem>>
      %dma_wait3A_247 = arith.constant 0 : i32
      %dma_wait3A_248 = tpu.memref_slice %arg10[%dma_wait3A_241, %dma_wait3A_242, %dma_wait3A_247] : memref<1x1x128xi32, #tpu.memory_space<vmem>> -> memref<1x1x128xi32, #tpu.memory_space<vmem>>
      %dma_wait3A_249 = tpu.memref_squeeze %dma_wait3A_248 : memref<1x1x128xi32, #tpu.memory_space<vmem>> -> memref<128xi32, #tpu.memory_space<vmem>>
      %dma_wait3A_250 = arith.constant 0 : i32
      %dma_wait3A_251 = arith.constant 0 : i32
      %dma_wait3A_252 = tpu.memref_slice %arg5[%dma_wait3A_250, %dma_wait3A_251] : memref<1000000x32xf32, #tpu.memory_space<hbm>> -> memref<1000000x32xf32, #tpu.memory_space<hbm>>
      tpu.wait_indirect_dma semaphore(%arg17 : memref<!tpu.dma_semaphore, #tpu.memory_space<semaphore_mem>>) src(%dma_wait3A_246 : memref<128x32xf32, #tpu.memory_space<vmem>>) dst(%dma_wait3A_252 : memref<1000000x32xf32, #tpu.memory_space<hbm>>)
    }
    %while3A_203 = arith.constant 1 : i32
    scf.for %while3A_204 = %while3A_201 to %while3A_197 step %while3A_203  : i32 {
      %scan3A_205 = arith.constant 0 : i32
      %scan3A_206 = arith.constant 0 : i32
      %scan3A_207 = arith.constant 8 : i32
      %scan3A_208 = arith.addi %scan3A_206, %scan3A_207 : i32
      %scan3A_209 = arith.constant 1 : i32
      scf.for %scan3A_253 = %scan3A_206 to %scan3A_208 step %scan3A_209  : i32 {
        %mul3A_254 = arith.constant 8 : i32
        %mul3A_255 = arith.muli %while3A_204, %mul3A_254 : i32
        %add3A_256 = arith.addi %mul3A_255, %scan3A_253 : i32
        %mul3A_257 = arith.constant 16 : i32
        %mul3A_258 = arith.muli %add3A_256, %mul3A_257 : i32
        %get3A_259 = arith.index_cast %mul3A_258 : i32 to index
        %get3A_260 = tpu.vector_load %arg9[%get3A_259] {strides = array<i32>} : memref<16400xi32, #tpu.memory_space<vmem>>, vector<16xi32>,
        %mul3A_261 = arith.constant 16 : i32
        %mul3A_262 = arith.muli %scan3A_253, %mul3A_261 : i32
        %swap3A = arith.constant 0 : i32
        %swap3A_263 = arith.constant 0 : i32
        %swap3A_264 = arith.index_cast %swap3A : i32 to index
        %swap3A_265 = arith.index_cast %swap3A_263 : i32 to index
        %swap3A_266 = arith.index_cast %mul3A_262 : i32 to index
        %swap3A_267 = tpu.vector_load %arg10[%swap3A_264, %swap3A_265, %swap3A_266] {strides = array<i32>} : memref<1x1x128xi32, #tpu.memory_space<vmem>>, vector<16xi32>,
        tpu.vector_store %arg10[%swap3A_264, %swap3A_265, %swap3A_266], %get3A_260 {strides = array<i32>} : memref<1x1x128xi32, #tpu.memory_space<vmem>>, vector<16xi32>,
      }
      %scan3A_210 = arith.constant 8 : i32
      %mul3A_211 = arith.constant 128 : i32
      %mul3A_212 = arith.muli %while3A_204, %mul3A_211 : i32
      %dma_start3A_213 = arith.constant 0 : i32
      %dma_start3A_214 = arith.constant 0 : i32
      %dma_start3A_215 = tpu.memref_slice %arg12[%while3A_194, %dma_start3A_213, %dma_start3A_214] : memref<2x1024x32xf32, #tpu.memory_space<vmem>> -> memref<1x128x32xf32, #tpu.memory_space<vmem>>
      %dma_start3A_216 = tpu.memref_squeeze %dma_start3A_215 : memref<1x128x32xf32, #tpu.memory_space<vmem>> -> memref<128x32xf32, #tpu.memory_space<vmem>>
      %dma_start3A_217 = tpu.memref_slice %arg8[%mul3A_212] : memref<16400xi32, #tpu.memory_space<vmem>> -> memref<128xi32, #tpu.memory_space<vmem>>
      %dma_start3A_218 = arith.constant 0 : i32
      %dma_start3A_219 = arith.constant 0 : i32
      %dma_start3A_220 = tpu.memref_slice %arg4[%dma_start3A_218, %dma_start3A_219] : memref<16384x32xf32, #tpu.memory_space<hbm>> -> memref<16384x32xf32, #tpu.memory_space<hbm>>
      tpu.enqueue_indirect_dma source(%dma_start3A_220 : memref<16384x32xf32, #tpu.memory_space<hbm>>) target(%dma_start3A_216 : memref<128x32xf32, #tpu.memory_space<vmem>>) offsets(%dma_start3A_217 : memref<128xi32, #tpu.memory_space<vmem>>) semaphore(%arg16 : memref<!tpu.dma_semaphore, #tpu.memory_space<semaphore_mem>>)
      %dma_wait3A_221 = arith.constant 0 : i32
      %dma_wait3A_222 = arith.constant 0 : i32
      %dma_wait3A_223 = tpu.memref_slice %arg12[%while3A_194, %dma_wait3A_221, %dma_wait3A_222] : memref<2x1024x32xf32, #tpu.memory_space<vmem>> -> memref<1x128x32xf32, #tpu.memory_space<vmem>>
      %dma_wait3A_224 = tpu.memref_squeeze %dma_wait3A_223 : memref<1x128x32xf32, #tpu.memory_space<vmem>> -> memref<128x32xf32, #tpu.memory_space<vmem>>
      %dma_wait3A_225 = tpu.memref_slice %arg8[%mul3A_212] : memref<16400xi32, #tpu.memory_space<vmem>> -> memref<128xi32, #tpu.memory_space<vmem>>
      %dma_wait3A_226 = arith.constant 0 : i32
      %dma_wait3A_227 = arith.constant 0 : i32
      %dma_wait3A_228 = tpu.memref_slice %arg4[%dma_wait3A_226, %dma_wait3A_227] : memref<16384x32xf32, #tpu.memory_space<hbm>> -> memref<16384x32xf32, #tpu.memory_space<hbm>>
      tpu.wait_indirect_dma semaphore(%arg16 : memref<!tpu.dma_semaphore, #tpu.memory_space<semaphore_mem>>) src(%dma_wait3A_228 : memref<16384x32xf32, #tpu.memory_space<hbm>>) dst(%dma_wait3A_224 : memref<128x32xf32, #tpu.memory_space<vmem>>)
      %dma_start3A_229 = arith.constant 0 : i32
      %dma_start3A_230 = arith.constant 0 : i32
      %dma_start3A_231 = arith.constant 0 : i32
      %dma_start3A_232 = arith.constant 0 : i32
      %dma_start3A_233 = tpu.memref_slice %arg12[%while3A_194, %dma_start3A_231, %dma_start3A_232] : memref<2x1024x32xf32, #tpu.memory_space<vmem>> -> memref<1x128x32xf32, #tpu.memory_space<vmem>>
      %dma_start3A_234 = tpu.memref_squeeze %dma_start3A_233 : memref<1x128x32xf32, #tpu.memory_space<vmem>> -> memref<128x32xf32, #tpu.memory_space<vmem>>
      %dma_start3A_235 = arith.constant 0 : i32
      %dma_start3A_236 = tpu.memref_slice %arg10[%dma_start3A_229, %dma_start3A_230, %dma_start3A_235] : memref<1x1x128xi32, #tpu.memory_space<vmem>> -> memref<1x1x128xi32, #tpu.memory_space<vmem>>
      %dma_start3A_237 = tpu.memref_squeeze %dma_start3A_236 : memref<1x1x128xi32, #tpu.memory_space<vmem>> -> memref<128xi32, #tpu.memory_space<vmem>>
      %dma_start3A_238 = arith.constant 0 : i32
      %dma_start3A_239 = arith.constant 0 : i32
      %dma_start3A_240 = tpu.memref_slice %arg5[%dma_start3A_238, %dma_start3A_239] : memref<1000000x32xf32, #tpu.memory_space<hbm>> -> memref<1000000x32xf32, #tpu.memory_space<hbm>>
      tpu.enqueue_indirect_dma source(%dma_start3A_234 : memref<128x32xf32, #tpu.memory_space<vmem>>) target(%dma_start3A_240 : memref<1000000x32xf32, #tpu.memory_space<hbm>>) offsets(%dma_start3A_237 : memref<128xi32, #tpu.memory_space<vmem>>) semaphore(%arg17 : memref<!tpu.dma_semaphore, #tpu.memory_space<semaphore_mem>>)
      %dma_wait3A_241 = arith.constant 0 : i32
      %dma_wait3A_242 = arith.constant 0 : i32
      %dma_wait3A_243 = arith.constant 0 : i32
      %dma_wait3A_244 = arith.constant 0 : i32
      %dma_wait3A_245 = tpu.memref_slice %arg12[%while3A_194, %dma_wait3A_243, %dma_wait3A_244] : memref<2x1024x32xf32, #tpu.memory_space<vmem>> -> memref<1x128x32xf32, #tpu.memory_space<vmem>>
      %dma_wait3A_246 = tpu.memref_squeeze %dma_wait3A_245 : memref<1x128x32xf32, #tpu.memory_space<vmem>> -> memref<128x32xf32, #tpu.memory_space<vmem>>
      %dma_wait3A_247 = arith.constant 0 : i32
      %dma_wait3A_248 = tpu.memref_slice %arg10[%dma_wait3A_241, %dma_wait3A_242, %dma_wait3A_247] : memref<1x1x128xi32, #tpu.memory_space<vmem>> -> memref<1x1x128xi32, #tpu.memory_space<vmem>>
      %dma_wait3A_249 = tpu.memref_squeeze %dma_wait3A_248 : memref<1x1x128xi32, #tpu.memory_space<vmem>> -> memref<128xi32, #tpu.memory_space<vmem>>
      %dma_wait3A_250 = arith.constant 0 : i32
      %dma_wait3A_251 = arith.constant 0 : i32
      %dma_wait3A_252 = tpu.memref_slice %arg5[%dma_wait3A_250, %dma_wait3A_251] : memref<1000000x32xf32, #tpu.memory_space<hbm>> -> memref<1000000x32xf32, #tpu.memory_space<hbm>>
      tpu.wait_indirect_dma semaphore(%arg17 : memref<!tpu.dma_semaphore, #tpu.memory_space<semaphore_mem>>) src(%dma_wait3A_246 : memref<128x32xf32, #tpu.memory_space<vmem>>) dst(%dma_wait3A_252 : memref<1000000x32xf32, #tpu.memory_space<hbm>>)
    }
    return
  }
}

</mosaic_0001>

<sc_bundles>
// kernel: kernel.3.cloned.1.call-start
scs
__scs_entry_jumppad:
0x0: {  	(pc) =	sbr.rel $0x88, $3  }
0x1: {  	(tag) =	ssettag $0x0;
	lr =	simm.s32 $0x1  }
0x2: {  	[smem:$0x3F9E] =	sst lr;
	_ =	strace $0xD0000000  }
0x3: {  	_ = 	snop  }
0x4: {  	_ = 	snop  }
0x5: {  	_ = 	snop  }
0x6: {  	_ = 	snop  }
0x7: {  	_ = 	snop  }
__scs_overlays_trampoline_lowered:
0x8: {  	[smem:$0x3FAD] =	sst s0  }
0x9: {  	[smem:$0x3FAE] =	sst s1  }
0xa: {  	[smem:$0x3FAF] =	sst s2  }
0xb: {  	[smem:$0x3FB0] =	sst s3  }
0xc: {  	[smem:$0x3FB1] =	sst s4  }
0xd: {  	[smem:$0x3FB2] =	sst s5  }
0xe: {  	[smem:$0x3FB3] =	sst s6  }
0xf: {  	[smem:$0x3FB4] =	sst s7  }
0x10: {  	[smem:$0x3FB5] =	sst s8  }
0x11: {  	[smem:$0x3FB6] =	sst s9;
	s0 =	simm.s32 @!p0 $0x0  }
0x12: {  	s1 =	sld [smem:$0x3F9C];
	s0 =	simm.s32 @p0 $0x1  }
0x13: {  	[smem:$0x3FB7] =	sst s0;
	s0 =	simm.s32 @!p1 $0x0  }
0x14: {  	s2 =	sld [smem:$0x3F9B];
	s0 =	simm.s32 @p1 $0x1  }
0x15: {  	[smem:$0x3FB8] =	sst s0;
	s0 =	simm.s32 @!p2 $0x0  }
0x16: {  	s3 =	sld [smem:$0x3FDB];
	s0 =	simm.s32 @p2 $0x1  }
0x17: {  	s4 =	simm.s32 $0x1BF5;
	[smem:$0x3FBA] =	sst s0  }
0x18: {  	s0 =	sld [smem:$0x3F9D];
	_ =	swait.ge [sflag:s4], $0x0  }
0x19: {  	s7 =	sld [smem:$0x3F9E]  }
0x1a: {  	s8 =	sadd.s32 $0xFFFFE003, lr  }
0x1b: {  	s9 =	sadd.s32 $0xFFFFFEF7, lr;
	s5 =	simm.s32 $0xFFFFFFFF;
	p2 =	slt.u32 s8, $0xFFFFF086  }
0x1c: {  	p1 =	slt.u32 s9, $0xF7A;
	s5 =	simm.s32 @!p2 $0x0  }
0x1d: {  	s5 =	simm.s32 @p1 $0x1;
	p0 =	seq.s32 s7, s2  }
0x1e: {  	s7 =	smul.u32 @!p0 $0xF7A, s2;
	p2 =	seq.s32 @!p0 s5, $0x0  }
0x1f: {  	s9 =	smul.u32 $0xF7A, s1;
	s8 =	simm.s32 @!p0 $0x1BF5;
	p2 =	por !p2, p0  }
0x20: {  	[sflag:s8] =	ssyncset.s32 @!p0 $0xFFFFF086;
	s6 =	sadd.s32 @!p0 s3, s7;
	s7 =	simm.s32 @!p0 $0x108  }
0x21: {  	s3 =	sadd.s32 s3, s9;
	s6 =	sadd.s32 @!p0 $0x88, s6;
	s7 =	simm.s32 @p2 $0x1082  }
0x22: {  	[simem:s7], [sflag:s8] =	dma.local @!p0 [hbm:s6], $0xF7A  }
0x23: {  	s9 =	sor.u32 $0xD0000000, s2;
	s6 =	simm.s32 $0x108;
	_ =	swait.ge @!p0 [sflag:s8], $0x0  }
0x24: {  	s3 =	sadd.s32 $0x88, s3;
	s6 =	simm.s32 @!p1 $0x1082;
	[sflag:s4] =	ssyncset.s32 $0xFFFFF086  }
0x25: {  	[simem:s6], [sflag:s4] =	dma.local [hbm:s3], $0xF7A  }
0x26: {  	[smem:$0x3F9E] =	sst s1;
	(tag) =	ssettag s2;
	_ =	strace s9  }
0x27: {  	s1 =	sld [smem:$0x3FAE]  }
0x28: {  	s2 =	sld [smem:$0x3FAF]  }
0x29: {  	s4 =	sld [smem:$0x3FB1]  }
0x2a: {  	p0 =	seq.s32 s5, $0x0;
	s5 =	sld [smem:$0x3FB2]  }
0x2b: {  	s6 =	sld [smem:$0x3FB3]  }
0x2c: {  	s7 =	sld [smem:$0x3FB4]  }
0x2d: {  	s3 =	simm.s32 $0x108;
	s8 =	sld [smem:$0x3FB5]  }
0x2e: {  	s3 =	simm.s32 @!p0 $0x1082;
	s9 =	sld [smem:$0x3FB6]  }
0x2f: {  	lr =	sadd.s32 s0, s3;
	s0 =	sld [smem:$0x3FAD]  }
0x30: {  	s3 =	sld [smem:$0x3FB0]  }
0x31: {  	[smem:$0x3FB9] =	sst s10  }
0x32: {  	s10 =	sld [smem:$0x3FB7];
	_ =	sdelay $0x3  }
0x33: {  	p0 =	seq.s32 s10, $0x1;
	s10 =	sld [smem:$0x3FB9];
	_ =	sdelay $0x3  }
0x34: {  	[smem:$0x3FB9] =	sst s10  }
0x35: {  	s10 =	sld [smem:$0x3FB8];
	_ =	sdelay $0x3  }
0x36: {  	p1 =	seq.s32 s10, $0x1;
	s10 =	sld [smem:$0x3FB9];
	_ =	sdelay $0x3  }
0x37: {  	[smem:$0x3FB9] =	sst s10  }
0x38: {  	s10 =	sld [smem:$0x3FBA]  }
0x39: {  	_ = 	snop;
	(pc) =	sbr.ind lr, $3  }
0x3a: {  	_ = 	snop  }
0x3b: {  	_ = 	snop  }
0x3c: {  	p2 =	seq.s32 s10, $0x1;
	s10 =	sld [smem:$0x3FB9]  }
0x3d: {  	_ =	shalt  }
0x3e: {  	_ =	shalt  }
0x3f: {  	_ =	shalt  }
0x40: {  	_ =	shalt  }
0x41: {  	_ =	shalt  }
0x42: {  	_ =	shalt  }
0x43: {  	_ =	shalt  }
0x44: {  	_ =	shalt  }
0x45: {  	_ =	shalt  }
0x46: {  	_ =	shalt  }
0x47: {  	_ =	shalt  }
0x48: {  	_ =	shalt  }
0x49: {  	_ =	shalt  }
0x4a: {  	_ =	shalt  }
0x4b: {  	_ =	shalt  }
0x4c: {  	_ =	shalt  }
0x4d: {  	_ =	shalt  }
0x4e: {  	_ =	shalt  }
0x4f: {  	_ =	shalt  }
0x50: {  	_ =	shalt  }
0x51: {  	_ =	shalt  }
0x52: {  	_ =	shalt  }
0x53: {  	_ =	shalt  }
0x54: {  	_ =	shalt  }
0x55: {  	_ =	shalt  }
0x56: {  	_ =	shalt  }
0x57: {  	_ =	shalt  }
0x58: {  	_ =	shalt  }
0x59: {  	_ =	shalt  }
0x5a: {  	_ =	shalt  }
0x5b: {  	_ =	shalt  }
0x5c: {  	_ =	shalt  }
0x5d: {  	_ =	shalt  }
0x5e: {  	_ =	shalt  }
0x5f: {  	_ =	shalt  }
0x60: {  	_ =	shalt  }
0x61: {  	_ =	shalt  }
0x62: {  	_ =	shalt  }
0x63: {  	_ =	shalt  }
0x64: {  	_ =	shalt  }
0x65: {  	_ =	shalt  }
0x66: {  	_ =	shalt  }
0x67: {  	_ =	shalt  }
0x68: {  	_ =	shalt  }
0x69: {  	_ =	shalt  }
0x6a: {  	_ =	shalt  }
0x6b: {  	_ =	shalt  }
0x6c: {  	_ =	shalt  }
0x6d: {  	_ =	shalt  }
0x6e: {  	_ =	shalt  }
0x6f: {  	_ =	shalt  }
0x70: {  	_ =	shalt  }
0x71: {  	_ =	shalt  }
0x72: {  	_ =	shalt  }
0x73: {  	_ =	shalt  }
0x74: {  	_ =	shalt  }
0x75: {  	_ =	shalt  }
0x76: {  	_ =	shalt  }
0x77: {  	_ =	shalt  }
0x78: {  	_ =	shalt  }
0x79: {  	_ =	shalt  }
0x7a: {  	_ =	shalt  }
0x7b: {  	_ =	shalt  }
0x7c: {  	_ =	shalt  }
0x7d: {  	_ =	shalt  }
0x7e: {  	_ =	shalt  }
0x7f: {  	_ =	shalt  }
0x80: {  	_ =	shalt  }
0x81: {  	_ =	shalt  }
0x82: {  	_ =	shalt  }
0x83: {  	_ =	shalt  }
0x84: {  	_ =	shalt  }
0x85: {  	_ =	shalt  }
0x86: {  	_ =	shalt  }
0x87: {  	_ =	shalt  }
.Lfunc_end0:
.L_simem_size_0:
called_computation.1_lowered:
.L_overlay_start_0:
0x88: {  	s2 =	sld [smem:$0x3FD9]  }
0x89: {  	s3 =	sld [smem:$0x3FFE];
	_ =	sdelay $0x1  }
0x8a: {  	s1 =	srdreg.scid  }
0x8b: {  	s0 =	sand.u32 $0x1, s1  }
0x8c: {  	s14 =	sshll.u32 s0, $0xA;
	s2 =	sadd.s32 s3, s2  }
0x8d: {  	s2 =	sadd.s32 s2, s14  }
0x8e: {  	[smem:$0x3FC5] =	sst s2  }
0x8f: {  	_ = 	snop  }
0x90: {  	s2 =	sld [smem:$0x3FD0];
	_ =	sdelay $0x2  }
0x91: {  	s4 =	simm.s32 $0xA;
	s5 =	simm.s32 $0x10;
	s15 =	sld [smem:$0x3FC8]  }
0x92: {  	[smem:s5], [sflag:s4] =	dma.local [hbm:s2], $0x1  }
0x93: {  	_ =	swait.eq [sflag:s4], $0x1  }
0x94: {  	[sflag:s4] =	ssyncset.done $0x0  }
0x95: {  	s16 =	sld [smem:$0x10];
	[sflag:s4] =	ssyncadd.s32 $0xFFFFFFFF  }
0x96: {  	s17 =	sld [smem:$0x11];
	(tm) =	ssettm $0x1  }
0x97: {  	s18 =	sld [smem:$0x3FFB];
	_ =	sdelay $0x3  }
0x98: {  	_ =	strace s18  }
0x99: {  	s5 =	sld [smem:$0x3FFC];
	_ =	sdelay $0x3  }
0x9a: {  	_ =	strace s5  }
0x9b: {  	s5 =	sld [smem:$0x3FFD];
	_ =	sdelay $0x3  }
0x9c: {  	_ =	strace s5  }
0x9d: {  	_ =	strace $0x8FFFFFFF  }
0x9e: {  	s19 =	sld [smem:$0x3FDB];
	_ =	sdelay $0x1  }
0x9f: {  	s6 =	simm.s32 $_scs_section_size  }
0xa0: {  	s7 =	simm.s32 $_size__tile_overlayer_lowered;
	s8 =	simm.s32 $_tile_overlayer_lowered  }
0xa1: {  	s22 =	simm.s32 $0x1BFF;
	s21 =	sshll.u32 s8, $0x1;
	s5 =	sadd.s32 s6, s19  }
0xa2: {  	s9 =	simm.s32 $0x0;
	s20 =	sshll.u32 s7, $0x1;
	s7 =	sadd.s32 s21, s5  }
0xa3: {  	[timem:s9], [sflag:s22] =	dma.local [hbm:s7], s20  }
0xa4: {  	_ =	swait.ge [sflag:s22], s20  }
0xa5: {  	s6 =	ssub.s32 $0x0, s20;
	[sflag:s22] =	ssyncset.done $0x0  }
0xa6: {  	[sflag:s22] =	ssyncadd.s32 s6;
	_ =	sdelay $0x1  }
0xa7: {  	s23 =	simm.s32 $0x1B8B  }
0xa8: {  	_ =	swait.ge [sflag:s23], $0x1  }
0xa9: {  	[sflag:s23] =	ssyncset.done $0x0  }
0xaa: {  	s25 =	simm.s32 $0x1B8E;
	s24 =	sld [smem:$0x3FFE];
	[sflag:s23] =	ssyncadd.s32 $0xFFFFFFFF  }
0xab: {  	s26 =	simm.s32 $execute0_lowered;
	[smem:$0x3FD2] =	sst s25  }
0xac: {  	s7 =	sshll.u32 s26, $0x1;
	_ =	strace $0x80000046;
	[dreg:$0x1] =	wrdreg $0xFFFFFFFF  }
0xad: {  	s28 =	simm.s32 $_size_execute0_lowered;
	s5 =	sadd.s32 s5, s7;
	[dreg:$0x0] =	wrdreg $0x0  }
0xae: {  	s7 =	sshll.u32 s28, $0x1;
	[dreg:$0x2] =	wrdreg s5  }
0xaf: {  	[dreg:$0x3] =	wrdreg s7  }
0xb0: {  	[dreg:$0x4] =	wrdreg $0xC0  }
0xb1: {  	_ =	task [dreg:s9], $0x5FFFF  }
0xb2: {  	[dreg:$0x1] =	wrdreg $0xFFFFFFFF  }
0xb3: {  	[dreg:$0x0] =	wrdreg $0x60  }
0xb4: {  	[dreg:$0x2] =	wrdreg s17  }
0xb5: {  	[dreg:$0x3] =	wrdreg s15  }
0xb6: {  	[dreg:$0x4] =	wrdreg s16  }
0xb7: {  	[dreg:$0x5] =	wrdreg s24  }
0xb8: {  	[dreg:$0x6] =	wrdreg $0x9  }
0xb9: {  	_ =	task.clear_ibuf [dreg:s9], $0x7FFFF;
	_ =	strace $0x90000046  }
0xba: {  	s29 =	simm.s32 $0x9;
	_ =	strace $0x80000048  }
0xbb: {  	_ =	swait.ge [sflag:s29], $0x1  }
0xbc: {  	[sflag:s29] =	ssyncadd.s32 $0xFFFFFFFF  }
0xbd: {  	_ =	strace $0x90000048  }
0xbe: {  	_ =	sfence  }
0xbf: {  	s30 =	sld [smem:$0x0];
	_ =	sdelay $0x2  }
0xc0: {  	s31 =	sshll.u32 s1, $0xD;
	s1 =	sshrl.u32 s1, $0x2  }
0xc1: {  	s3 =	sand.u32 $0x4000, s31;
	s1 =	sadd.s32 s1, s30  }
0xc2: {  	s0 =	sor.u32 s3, s0;
	s1 =	sshll.u32 s1, $0x11  }
0xc3: {  	s0 =	sor.u32 s1, s0  }
0xc4: {  	s0 =	sadd.s32 $0x8F2B, s0  }
0xc5: {  	[sflag:s0] =	ssyncadd.remote.s32 $0x1  }
0xc6: {  	_ =	sfence.sel $0xFFFF  }
0xc7: {  	[dreg:$0x0] =	wrdreg $0xFFFFFFFF;
	(pc) =	sbr.abs _section_cstart, $3  }
0xc8: {  	[dreg:$0x1] =	wrdreg $0xFFFFFFFF  }
0xc9: {  	_ =	task.clear_ibuf [dreg:s9], $0x2FFFF;
	_ =	strace $0x9FFFFFFF  }
0xca: {  	(tm) =	ssettm $0x7FFFFFFF  }
0xcb: {  	_ =	shalt  }
tec
execute0_lowered:
.L_overlay_start_1:
0x0: {  	(tag) =	ssettag $0x1  }
0x1: {  	s0 =	srdreg.scid;
	s1 =	stileid.u32  }
0x2: {  	s0 =	sand.u32 $0x1, s0;
	s1 =	sshll.u32 s1, $0x1  }
0x3: {  	s1 =	sor.u32 s0, s1  }
0x4: {  	s1 =	smul.u32 $0x7A18, s1;
	_ =	sdelay $0x1  }
0x5: {  	s4 =	rddreg [dreg:$0x1];
	s2 =	smin.u32 s1, $0xEC828  }
0x6: {  	s5 =	rddreg [dreg:$0x2];
	s3 =	sadd.s32 $0x7A18, s2  }
0x7: {  	s8 =	rddreg [dreg:$0x3];
	s11 =	ssub.s32 s3, s1  }
0x8: {  	s18 =	simm.s32 $0xFCB8;
	s19 =	simm.s32 $0x1;
	s6 =	sadd.s32 $0x3FF, s11  }
0x9: {  	s31 =	simm.s32 $0x17CB8;
	s0 =	ssub.s32 $0x2, s0;
	s7 =	sshra.s32 s6, $0x1F  }
0xa: {  	s28 =	simm.s32 $0x4;
	s13 =	sshrl.u32 s0, $0x1;
	s7 =	sshrl.u32 s7, $0x16  }
0xb: {  	s0 =	ssub.s32 s0, s13;
	s7 =	sadd.s32 s7, s6;
	s6 =	simm.s32 $0x0  }
0xc: {  	s0 =	smax.u32 s0, $0x1;
	s7 =	sshrl.u32 s7, $0xA;
	[smem:$0x7FF] =	sst s6  }
0xd: {  	s2 =	rddreg [dreg:$0x0];
	s10 =	sadd.s32 $0x1, s7;
	_ =	strace $0x80000047  }
0xe: {  	s7 =	sadd.s32 $0x1000, s8;
	s8 =	sadd.s32 $0x3D1A00, s8;
	s9 =	sand.u32 $0x8000, s10  }
0xf: {  	[dreg:$0x7] =	wrdreg s0;
	s12 =	sshrl.u32 s9, $0xF;
	s9 =	sadd.s32 $0xFFFFFC00, s11  }
0x10: {  	[dreg:$0x5] =	wrdreg s31;
	s10 =	sadd.s32 s12, s10;
	s20 =	sshra.s32 s9, $0x1F  }
0x11: {  	p0 =	slt.s32 s9, $0x400;
	s14 =	smov.u32 s9;
	s22 =	smin.u32 s9, $0x800  }
0x12: {  	s10 =	sshll.u32 s10, $0x10;
	s12 =	sand.u32 s20, s9;
	s14 =	simm.s32 @!p0 $0x400  }
0x13: {  	s24 =	sadd.s32 s1, s22;
	p0 =	slt.s32 s11, $0x1;
	s20 =	simm.s32 $0x2  }
0x14: {  	s22 =	simm.s32 $0x82A0;
	s21 =	sshra.s32 s10, $0x11;
	s12 =	sadd.s32 s1, s12  }
0x15: {  	s10 =	sshra.s32 s10, $0x10;
	s14 =	sadd.s32 s1, s14;
	s25 =	sshll.u32 s24, $0x2  }
0x16: {  	p1 =	slt.u32 @!p0 s11, $0x801;
	s24 =	simm.s32 $0x1FCB8;
	s11 =	simm.s32 $0x0  }
0x17: {  	s12 =	sshll.u32 s12, $0x2;
	s10 =	sand.u32 $0xFFFFFFFE, s10;
	s23 =	sshll.u32 s14, $0x2  }
0x18: {  	s30 =	sadd.s32 $0xFFFFFFFF, s21;
	p1 =	por p0, p1;
	s12 =	sand.u32 $0x1FFFFFE0, s12  }
0x19: {  	s0 =	sand.u32 $0x1FFFFFE0, s23;
	[dreg:$0xc] =	wrdreg s30;
	s15 =	sadd.s32 s2, s12  }
.Ltmp0:
0x1a: {  	s12 =	sadd.s32 s7, s12;
	[dreg:$0x6] =	wrdreg s15;
	(pc) =	sbr.rel .LBB2_1-.Ltmp0, $4  }
0x1b: {  	s21 =	simm.s32 $0x5;
	s26 =	sadd.s32 s2, s0;
	[dreg:$0x8] =	wrdreg s12  }
0x1c: {  	s0 =	sadd.s32 s7, s0;
	[dreg:$0x9] =	wrdreg s26;
	s12 =	sand.u32 $0x7FFFE0, s25  }
0x1d: {  	v2 =	vlaneseq.u32;
	s23 =	simm.s32 $0x80;
	[dreg:$0xa] =	wrdreg s0;
	s29 =	sadd.s32 s2, s12  }
0x1e: {  	vm0 =	vmmov $0x1;
	v1 =	vmov s1;
	v0 =	vmov s3;
	s25 =	simm.s32 $0x3;
	s26 =	simm.s32 $0x8220;
	[dreg:$0xb] =	wrdreg s29  }
.LBB2_32:
0x1f: {  	[sflag:s28] =	ssyncadd.s32 $0xFFFFF000;
	s11 =	rddreg [dreg:$0xd]  }
.LBB2_33:
0x20: {  	s11 =	sadd.s32 $0x1, s11;
	s0 =	rddreg [dreg:$0x7]  }
0x21: {  	p2 =	sne.s32 s11, s0  }
.Ltmp1:
0x22: {  	_ = 	snop;
	(pc) =	sbr.rel @!p2 .LBB2_34-.Ltmp1, $1  }
0x23: {  	_ =	sdelay $0x3  }
.LBB2_1:
0x24: {  	s0 =	rddreg [dreg:$0x6]  }
0x25: {  	[tilespmem:s18], [sflag:$0x1] =	stream.linear.gather [hbm4b:s0+s6], $0x8000, $0x38;
	[tilespmem:$0x1FD38] =	vst v63  }
0x26: {  	[dreg:$0xd] =	wrdreg s11;
	s0 =	simm.s32 @!p0 $0x1  }
0x27: {  	_ =	swait.ge @!p0 [sflag:s0], $0x8000  }
0x28: {  	s3 =	simm.s32 @!p0 $0x0;
	[sflag:s0] =	ssyncset.done @!p0 $0x0  }
0x29: {  	s11 =	simm.s32 @!p0 $0xFCB8;
	s12 =	rddreg [dreg:$0x8];
	[sflag:s0] =	ssyncadd.s32 @!p0 $0xFFFF8000  }
0x2a: {  	[hbm4b:s12+s3] =	stream.linear.scatter @!p0 [tilespmem:s11], [sflag:$0x2], $0x8000, $0x38;
	[tilespmem:$0x1FD38] =	vst v63  }
0x2b: {  	s11 =	simm.s32 @!p0 $0x17CB8;
	s12 =	rddreg [dreg:$0x9]  }
0x2c: {  	[tilespmem:s11], [sflag:$0x1] =	stream.linear.gather @!p0 [hbm4b:s12+s3], $0x8000, $0x38;
	[tilespmem:$0x1FD38] =	vst v63  }
0x2d: {  	_ =	swait.ge @!p0 [sflag:s0], $0x8000  }
0x2e: {  	[sflag:s0] =	ssyncset.done @!p0 $0x0  }
0x2f: {  	[sflag:s0] =	ssyncadd.s32 @!p0 $0xFFFF8000;
	s0 =	rddreg [dreg:$0xa]  }
0x30: {  	[hbm4b:s0+s3] =	stream.linear.scatter @!p0 [tilespmem:s11], [sflag:$0x2], $0x8000, $0x38;
	[tilespmem:$0x1FD38] =	vst v63  }
.Ltmp2:
0x31: {  	_ = 	snop;
	(pc) =	sbr.rel @p1 .LBB2_5-.Ltmp2, $4  }
0x32: {  	s0 =	simm.s32 @!p0 $0x2  }
0x33: {  	_ =	swait.ge @!p0 [sflag:s0], $0x8000  }
0x34: {  	[sflag:s0] =	ssyncset.done @!p0 $0x0  }
0x35: {  	[sflag:s0] =	ssyncadd.s32 @!p0 $0xFFFF8000  }
0x36: {  	s0 =	rddreg [dreg:$0xb]  }
0x37: {  	s3 =	rddreg [dreg:$0xc];
	p2 =	sgt.s32 s9, $0x800;
	s11 =	smov.u32 s9  }
0x38: {  	p4 =	sgt.s32 s10, $0x3;
	p5 =	sgt.s32 s9, $0xC00;
	s12 =	smov.u32 s9  }
0x39: {  	[tilespmem:s18], [sflag:$0x1] =	stream.linear.gather [hbm4b:s0+s6], $0x8000, $0x38;
	[tilespmem:$0x1FD38] =	vst v63  }
0x3a: {  	s0 =	simm.s32 $0x800;
	s3 =	sadd.s32 $0xFFFFFFFF, s3;
	s14 =	simm.s32 @p4 $0x17CB8  }
0x3b: {  	p3 =	sne.s32 s3, $0x0;
	s11 =	smov.u32 @p2 s0;
	_ =	swait.ge [sflag:s19], $0x8000  }
0x3c: {  	p2 =	sle.s32 s10, $0x4;
	s0 =	sadd.s32 s1, s11;
	[sflag:s19] =	ssyncset.done $0x0  }
0x3d: {  	s11 =	simm.s32 $0xC00;
	s0 =	sshll.u32 s0, $0x2;
	[sflag:s19] =	ssyncadd.s32 $0xFFFF8000  }
0x3e: {  	s12 =	smov.u32 @p5 s11;
	s11 =	simm.s32 @p4 $0x0;
	s0 =	sand.u32 $0x1FFFFFE0, s0  }
0x3f: {  	p5 =	sgt.s32 @!p2 s9, $0x1000;
	s13 =	sadd.s32 @p4 s1, s12;
	s0 =	sadd.s32 s7, s0  }
0x40: {  	[hbm4b:s0+s6] =	stream.linear.scatter [tilespmem:s18], [sflag:$0x2], $0x8000, $0x38;
	[tilespmem:$0x1FD38] =	vst v63  }
0x41: {  	s12 =	sadd.s32 @!p4 s1, s12;
	s13 =	sshll.u32 @p4 s13, $0x2;
	_ =	swait.ge [sflag:s20], $0x8000  }
0x42: {  	s12 =	sshll.u32 @!p4 s12, $0x2;
	s13 =	sand.u32 @p4 $0x1FFFFFE0, s13;
	[sflag:s20] =	ssyncset.done $0x0  }
0x43: {  	s0 =	simm.s32 @!p2 $0x1000;
	s15 =	sadd.s32 @p4 s2, s13;
	[sflag:s20] =	ssyncadd.s32 $0xFFFF8000  }
0x44: {  	[tilespmem:s14], [sflag:$0x1] =	stream.linear.gather @p4 [hbm4b:s15+s11], $0x8000, $0x38;
	[tilespmem:$0x1FD38] =	vst v63  }
0x45: {  	s11 =	sand.u32 @!p4 $0x1FFFFFE0, s12;
	s12 =	simm.s32 @!p2 $0x0;
	_ =	swait.ge [sflag:s19], $0x8000  }
0x46: {  	s11 =	smov.u32 @p4 s13;
	p4 =	por !p5, p2;
	s31 =	rddreg [dreg:$0x5]  }
.Ltmp3:
0x47: {  	s0 =	smov.u32 @p4 s9;
	[sflag:s19] =	ssyncset.done $0x0;
	(pc) =	sbr.rel @!p3 .LBB2_4-.Ltmp3, $4  }
0x48: {  	s11 =	sadd.s32 s7, s11;
	[sflag:s19] =	ssyncadd.s32 $0xFFFF8000;
	s0 =	sadd.s32 @!p2 s1, s0  }
0x49: {  	[hbm4b:s11+s6] =	stream.linear.scatter [tilespmem:s31], [sflag:$0x2], $0x8000, $0x38;
	[tilespmem:$0x1FD38] =	vst v63  }
0x4a: {  	s13 =	simm.s32 @!p2 $0xFCB8;
	s11 =	sshll.u32 @!p2 s0, $0x2;
	s0 =	simm.s32 $0x5  }
0x4b: {  	_ =	swait.ge [sflag:s20], $0x8000;
	s14 =	sand.u32 @!p2 $0x1FFFFFE0, s11;
	s11 =	simm.s32 $0x1000  }
.LBB2_3:
0x4c: {  	s3 =	sadd.s32 $0xFFFFFFFF, s3;
	[sflag:s20] =	ssyncset.done $0x0  }
0x4d: {  	s14 =	sadd.s32 @!p2 s2, s14;
	p4 =	slt.s32 s11, s9;
	s30 =	sadd.s32 $0x1, s0  }
0x4e: {  	s16 =	smov.u32 s9;
	p3 =	sne.s32 s3, $0x0;
	[sflag:s20] =	ssyncadd.s32 $0xFFFF8000  }
0x4f: {  	[tilespmem:s13], [sflag:$0x1] =	stream.linear.gather @!p2 [hbm4b:s14+s12], $0x8000, $0x38;
	[tilespmem:$0x1FD38] =	vst v63  }
0x50: {  	s12 =	smov.u32 s9;
	p2 =	sge.s32 s30, s10;
	s13 =	sadd.s32 $0x400, s11  }
0x51: {  	_ =	swait.ge [sflag:s19], $0x8000;
	s12 =	smov.u32 @p4 s11;
	p4 =	slt.s32 s0, s10  }
0x52: {  	s14 =	sadd.s32 @!p2 $0x800, s11;
	p5 =	slt.s32 s13, s9;
	s0 =	sadd.s32 $0x2, s0  }
0x53: {  	s11 =	sadd.s32 $0x800, s11;
	s12 =	sadd.s32 s1, s12;
	[sflag:s19] =	ssyncset.done $0x0  }
0x54: {  	s15 =	simm.s32 @p4 $0x0;
	s16 =	smov.u32 @p5 s13;
	s12 =	sshll.u32 s12, $0x2  }
0x55: {  	s13 =	simm.s32 @p4 $0x17CB8;
	p5 =	slt.s32 @!p2 s14, s9;
	s12 =	sand.u32 $0x1FFFFFE0, s12  }
0x56: {  	[sflag:s19] =	ssyncadd.s32 $0xFFFF8000;
	p5 =	por !p5, p2;
	s12 =	sadd.s32 s7, s12  }
0x57: {  	[hbm4b:s12+s6] =	stream.linear.scatter [tilespmem:s18], [sflag:$0x2], $0x8000, $0x38;
	[tilespmem:$0x1FD38] =	vst v63  }
0x58: {  	s14 =	smov.u32 @p5 s9;
	s12 =	sadd.s32 @p4 s1, s16;
	s16 =	sadd.s32 @!p4 s1, s16  }
0x59: {  	_ =	swait.ge [sflag:s20], $0x8000;
	s12 =	sshll.u32 @p4 s12, $0x2;
	s16 =	sshll.u32 @!p4 s16, $0x2  }
0x5a: {  	[sflag:s20] =	ssyncset.done $0x0;
	s12 =	sand.u32 @p4 $0x1FFFFFE0, s12;
	s16 =	sand.u32 @!p4 $0x1FFFFFE0, s16  }
0x5b: {  	[sflag:s20] =	ssyncadd.s32 $0xFFFF8000;
	s17 =	sadd.s32 @p4 s2, s12;
	s16 =	smov.u32 @p4 s12  }
0x5c: {  	[tilespmem:s13], [sflag:$0x1] =	stream.linear.gather @p4 [hbm4b:s17+s15], $0x8000, $0x38;
	[tilespmem:$0x1FD38] =	vst v63  }
.Ltmp4:
0x5d: {  	s12 =	simm.s32 @!p2 $0x0;
	_ =	swait.ge [sflag:s19], $0x8000;
	(pc) =	sbr.rel @p3 .LBB2_3-.Ltmp4, $4  }
0x5e: {  	s16 =	sadd.s32 s7, s16;
	s13 =	sadd.s32 @!p2 s1, s14;
	[sflag:s19] =	ssyncset.done $0x0  }
0x5f: {  	s14 =	sshll.u32 @!p2 s13, $0x2;
	s31 =	rddreg [dreg:$0x5];
	[sflag:s19] =	ssyncadd.s32 $0xFFFF8000  }
0x60: {  	[hbm4b:s16+s6] =	stream.linear.scatter [tilespmem:s31], [sflag:$0x2], $0x8000, $0x38;
	[tilespmem:$0x1FD38] =	vst v63  }
0x61: {  	s13 =	simm.s32 @!p2 $0xFCB8;
	s14 =	sand.u32 @!p2 $0x1FFFFFE0, s14;
	_ =	swait.ge [sflag:s20], $0x8000  }
.LBB2_4:
0x62: {  	[sflag:s20] =	ssyncset.done $0x0  }
0x63: {  	s0 =	sadd.s32 @!p2 s2, s14;
	[sflag:s20] =	ssyncadd.s32 $0xFFFF8000  }
0x64: {  	[tilespmem:s13], [sflag:$0x1] =	stream.linear.gather @!p2 [hbm4b:s0+s12], $0x8000, $0x38;
	[tilespmem:$0x1FD38] =	vst v63  }
.LBB2_5:
0x65: {  	_ =	swait.ge [sflag:s20], $0x8000  }
0x66: {  	s0 =	simm.s32 $0x0;
	s30 =	simm.s32 $0x0;
	[sflag:s20] =	ssyncset.done $0x0  }
0x67: {  	s3 =	simm.s32 $0x0;
	s16 =	simm.s32 $0x0;
	[sflag:s20] =	ssyncadd.s32 $0xFFFF8000  }
.LBB2_6:
0x68: {  	s11 =	sshll.u32 s16, $0x6  }
0x69: {  	s11 =	sadd.s32 s4, s11  }
0x6a: {  	[tilespmem:s0], [sflag:$0x5] =	stream.linear.gather [hbm4b:s11+s0], $0x200, $0x38;
	[tilespmem:$0x1FD38] =	vst v63  }
0x6b: {  	_ =	swait.ge [sflag:s21], $0x200  }
0x6c: {  	[sflag:s21] =	ssyncset.done $0x0  }
0x6d: {  	s31 =	simm.s32 $0x0;
	[sflag:s21] =	ssyncadd.s32 $0xFFFFFE00  }
0x6e: {  	v3 =	vld [tilespmem:s31+$0x0];
	_ =	sdelay $0x4  }
0x6f: {  	vm1 =	vge.s32 v3, v1;
	vm2 =	vlt.s32 v3, v0  }
0x70: {  	vm1 =	vmand vm1, vm2  }
0x71: {  	v4 =	vmpcnt.ones.xlane vm1;
	_ =	sdelay $0x1  }
0x72: {  	v4 =	vxor.u32 $0x80000000, v4  }
0x73: {  	(xrf0) =	vmax.scan.msk.u32 $0xffff, v4;
	_ =	sdelay $0x5  }
0x74: {  	v62 =	vor.u32 s30, v2;
	v63, _, _ =	vpop (xrf0)  }
0x75: {  	[tilespmem:s3+$0x200] =	vst.msk vm1, v62;
	(v2sf) =	vpush v63, $0xF  }
0x76: {  	s13 =	simm.s32 $0x10;
	s12 =	simm.s32 $0x80;
	s11 =	smov.u32 s30;
	[tilespmem:s3+$0x4210] =	vst.msk vm1, v3  }
.LBB2_7:
0x77: {  	p2 =	sne.s32 s12, $0x7C0;
	v3 =	vld [tilespmem:s13+$0x0];
	_ =	sdelay $0x4  }
0x78: {  	vm1 =	vge.s32 v3, v1;
	vm2 =	vlt.s32 v3, v0  }
0x79: {  	vm1 =	vmand vm1, vm2  }
0x7a: {  	v4 =	vmpcnt.ones.xlane vm1;
	_ =	sdelay $0x1  }
0x7b: {  	v4 =	vxor.u32 $0x80000000, v4  }
0x7c: {  	(xrf0) =	vmax.scan.msk.u32 $0xffff, v4;
	_ =	sdelay $0x2  }
0x7d: {  	s13 =	spop (v2sf)  }
.Ltmp5:
0x7e: {  	s11 =	sadd.s32 $0x10, s11;
	s3 =	sadd.s32 s13, s3;
	(pc) =	sbr.rel @p2 .LBB2_7-.Ltmp5, $4  }
0x7f: {  	v5 =	vor.u32 s11, v2;
	s3 =	sadd.s32 $0x80000000, s3  }
0x80: {  	[tilespmem:s3+$0x200] =	vst.msk vm1, v5;
	v4, _, _ =	vpop (xrf0)  }
0x81: {  	[tilespmem:s3+$0x4210] =	vst.msk vm1, v3;
	(v2sf) =	vpush v4, $0xF  }
0x82: {  	s13 =	sshra.s32 s12, $0x2;
	s12 =	sadd.s32 $0x40, s12  }
0x83: {  	v3 =	vld [tilespmem:s13+$0x0];
	_ =	sdelay $0x4  }
0x84: {  	vm1 =	vge.s32 v3, v1;
	vm2 =	vlt.s32 v3, v0  }
0x85: {  	vm1 =	vmand vm1, vm2  }
0x86: {  	v4 =	vmpcnt.ones.xlane vm1;
	_ =	sdelay $0x1  }
0x87: {  	v4 =	vxor.u32 $0x80000000, v4  }
0x88: {  	(xrf0) =	vmax.scan.msk.u32 $0xffff, v4;
	_ =	sdelay $0x5  }
0x89: {  	v4, _, _ =	vpop (xrf0)  }
0x8a: {  	(v2sf) =	vpush v4, $0xF;
	_ =	sdelay $0xa  }
0x8b: {  	s16 =	sadd.s32 $0x1, s16  }
0x8c: {  	p2 =	sne.s32 s16, $0x20  }
.Ltmp6:
0x8d: {  	s12 =	spop (v2sf);
	(pc) =	sbr.rel @p2 .LBB2_6-.Ltmp6, $4  }
0x8e: {  	s11 =	sadd.s32 $0x10, s11;
	s3 =	sadd.s32 s12, s3  }
0x8f: {  	v63 =	vor.u32 s11, v2;
	s11 =	sadd.s32 $0x80000000, s3;
	s12 =	spop (v2sf)  }
0x90: {  	[tilespmem:s11+$0x200] =	vst.msk vm1, v63;
	s3 =	sadd.s32 s12, s11  }
0x91: {  	s30 =	sadd.s32 $0x200, s30;
	[tilespmem:s11+$0x4210] =	vst.msk vm1, v3;
	s3 =	sadd.s32 $0x80000000, s3  }
0x92: {  	s0 =	sadd.s32 $0xF, s3  }
0x93: {  	p2 =	slt.s32 s0, $0x10  }
.Ltmp7:
0x94: {  	_ = 	snop;
	(pc) =	sbr.rel @p2 .LBB2_14-.Ltmp7, $4  }
0x95: {  	s13 =	sshra.s32 s0, $0x1F  }
0x96: {  	s13 =	sshrl.u32 s13, $0x1C  }
0x97: {  	s11 =	sadd.s32 s11, s12;
	s13 =	sadd.s32 s13, s0  }
0x98: {  	s30 =	sadd.s32 $0x80000000, s11;
	s31 =	sshra.s32 s13, $0x4  }
0x99: {  	s0 =	sadd.s32 $0x80000000, s11  }
0x9a: {  	s12 =	simm.s32 $0x200;
	s13 =	simm.s32 $0x4210;
	s14 =	smov.u32 s31  }
.LBB2_11:
0x9b: {  	v3 =	vld [tilespmem:s13+$0x0];
	_ =	sdelay $0x3  }
0x9c: {  	v4 =	vmov s0  }
0x9d: {  	vm1 =	vgt.s32 v4, v2;
	v3 =	vsub.s32 v3, v1  }
0x9e: {  	v63 =	vld [tilespmem:s12+$0x0];
	p3 =	seq.s32 s14, $0x1;
	v3 =	vnsel vm1, $0x0, v3  }
.Ltmp8:
0x9f: {  	_ = 	snop;
	(pc) =	sbr.rel @!p3 .LBB2_11-.Ltmp8, $3  }
0xa0: {  	_ =	sdelay $0x1  }
0xa1: {  	s12 =	sadd.s32 $0x10, s12  }
0xa2: {  	s13 =	sadd.s32 $0x10, s13;
	s0 =	sadd.s32 $0xFFFFFFF0, s0;
	s14 =	sadd.s32 $0xFFFFFFFF, s14;
	[tilespmem:v3+s22+$0x0] =	vst.idx.msk vm1, v63  }
0xa3: {  	s0 =	simm.s32 $0x0;
	s12 =	simm.s32 $0x0  }
.LBB2_13:
0xa4: {  	s13 =	sshll.u32 s12, $0x4  }
0xa5: {  	v3 =	vld [tilespmem:s13+$0x4210];
	_ =	sdelay $0x2  }
0xa6: {  	s14 =	ssub.s32 s3, s13  }
0xa7: {  	v4 =	vmov s14  }
0xa8: {  	vm1 =	vgt.s32 v4, v2;
	v3 =	vsub.s32 v3, v1  }
0xa9: {  	v3 =	vnsel vm1, $0x0, v3;
	_ =	sdelay $0x3  }
0xaa: {  	v62 =	vld [tilespmem:s13+$0x200]  }
0xab: {  	v5 =	vld.idx.msk [tilespmem:v3+s22+$0x0], vm1;
	_ =	sdelay $0x4  }
0xac: {  	vm2 =	vgt.s32 v62, v5  }
0xad: {  	vm1 =	vmand vm1, vm2  }
0xae: {  	v63 =	vmpcnt.ones.xlane vm1;
	_ =	sdelay $0x1  }
0xaf: {  	v5 =	vxor.u32 $0x80000000, v63  }
0xb0: {  	(xrf0) =	vmax.scan.msk.u32 $0xffff, v5;
	_ =	sdelay $0x5  }
0xb1: {  	v5, _, _ =	vpop (xrf0)  }
0xb2: {  	(v2sf) =	vpush v5, $0xF;
	_ =	sdelay $0xe  }
0xb3: {  	s29 =	spop (v2sf)  }
0xb4: {  	s12 =	sadd.s32 $0x1, s12;
	s13 =	sxor.u32 $0x80000000, s29  }
0xb5: {  	p3 =	seq.s32 s12, s31;
	s0 =	sor.u32 s0, s13  }
0xb6: {  	p4 =	seq.s32 @p3 s0, $0x0  }
0xb7: {  	p4 =	por !p3, !p4  }
.Ltmp9:
0xb8: {  	_ = 	snop;
	(pc) =	sbr.rel @p4 .LBB2_13-.Ltmp9, $2  }
0xb9: {  	_ =	sdelay $0x2  }
0xba: {  	s12 =	simm.s32 @p3 $0x0;
	[tilespmem:v3+s22+$0x0] =	vst.idx.msk vm1, v62;
	s0 =	simm.s32 @p3 $0x0  }
.LBB2_14:
0xbb: {  	s0 =	sadd.s32 $0x7F, s3  }
0xbc: {  	p3 =	slt.s32 s0, $0x80  }
.Ltmp10:
0xbd: {  	_ = 	snop;
	(pc) =	sbr.rel @p3 .LBB2_19-.Ltmp10, $1  }
0xbe: {  	_ =	sdelay $0x3  }
0xbf: {  	v3 =	vld [tilespmem:$0x4210];
	_ =	sdelay $0x4  }
0xc0: {  	v3 =	vsub.s32 v3, v1  }
0xc1: {  	v3 =	vnsel vm0, $0x0, v3;
	_ =	sdelay $0x4  }
0xc2: {  	v3 =	vld.idx.msk [tilespmem:v3+s22+$0x0], $0x1  }
0xc3: {  	v4 =	vld [tilespmem:$0x200];
	_ =	sdelay $0x3  }
0xc4: {  	v3 =	vnsel vm0, $0x0, v3  }
0xc5: {  	(xrf0) =	vadd.scan.msk.s32 $0xffff, v3;
	v3 =	vnsel vm0, $0x0, v4  }
0xc6: {  	(xrf0) =	vadd.scan.msk.s32 $0xffff, v3;
	_ =	sdelay $0x3  }
0xc7: {  	s3 =	sshra.s32 s0, $0x1F  }
0xc8: {  	s3 =	sshrl.u32 s3, $0x19;
	v3, _, _ =	vpop (xrf0)  }
0xc9: {  	s13 =	sadd.s32 $0x80000000, s11;
	s16 =	simm.s32 $0x0;
	s29 =	sadd.s32 s3, s0;
	v4, _, _ =	vpop (xrf0)  }
0xca: {  	s17 =	simm.s32 $0x200;
	s11 =	simm.s32 $0x4210;
	s0 =	sshra.s32 s29, $0x7;
	v3 =	vbroadcast v3, $0xF;
	v4 =	vbroadcast v4, $0xF  }
.LBB2_16:
0xcb: {  	v6 =	vmov s11;
	_ =	sdelay $0x3  }
0xcc: {  	s12 =	simm.s32 $0x0  }
0xcd: {  	v7 =	vld.idx.msk [tilespmem:v6+s12+$0x0 ss:$0x1], $0xffff;
	_ =	sdelay $0x3  }
0xce: {  	v8 =	vmov s13  }
0xcf: {  	v5 =	vmov s17;
	vm1 =	vgt.s32 v8, v2;
	v7 =	vsub.s32 v7, v1  }
0xd0: {  	v7 =	vnsel vm1, $0x0, v7;
	_ =	sdelay $0x3  }
0xd1: {  	v8 =	vld.idx.msk [tilespmem:v5+s12+$0x0 ss:$0x1], $0xffff  }
0xd2: {  	v7 =	vld.idx.msk [tilespmem:v7+s22+$0x0], vm1;
	_ =	sdelay $0x3  }
0xd3: {  	v8 =	vsel vm1, v8, v4  }
0xd4: {  	s14 =	simm.s32 $0x40;
	s15 =	simm.s32 $0x80;
	s3 =	smov.u32 s13;
	[tilespmem:s12+$0x8220] =	vst v8;
	v7 =	vsel vm1, v7, v3  }
.LBB2_17:
0xd5: {  	[tilespmem:s12+$0x1FCB8] =	vst v7;
	s12 =	sshra.s32 s14, $0x2  }
0xd6: {  	s3 =	sadd.s32 $0xFFFFFFF0, s3;
	s14 =	smov.u32 s15;
	s29 =	sadd.s32 $0x40, s15  }
0xd7: {  	p3 =	sne.s32 s15, $0x1C0;
	v7 =	vld.idx.msk [tilespmem:v6+s12+$0x0 ss:$0x1], $0xffff;
	_ =	sdelay $0x4  }
0xd8: {  	v8 =	vmov s3  }
0xd9: {  	vm1 =	vgt.s32 v8, v2;
	v7 =	vsub.s32 v7, v1;
	v9 =	vld.idx.msk [tilespmem:v5+s12+$0x0 ss:$0x1], $0xffff  }
0xda: {  	v7 =	vnsel vm1, $0x0, v7;
	_ =	sdelay $0x4  }
0xdb: {  	v8 =	vsel vm1, v9, v4;
	v7 =	vld.idx.msk [tilespmem:v7+s22+$0x0], vm1  }
0xdc: {  	[tilespmem:s12+$0x8220] =	vst v8  }
.Ltmp11:
0xdd: {  	(pc) =	sbr.rel @p3 .LBB2_17-.Ltmp11, $2  }
0xde: {  	_ =	sdelay $0x2  }
0xdf: {  	s15 =	smov.u32 s29;
	v7 =	vsel vm1, v7, v3  }
0xe0: {  	_ =	sdelay $0x2  }
0xe1: {  	s14 =	sshra.s32 s14, $0x2;
	[tilespmem:s12+$0x1FCB8] =	vst v7  }
0xe2: {  	v6 =	vld.idx.msk [tilespmem:v6+s14+$0x0 ss:$0x1], $0xffff;
	_ =	sdelay $0x2  }
0xe3: {  	s3 =	sadd.s32 $0xFFFFFFF0, s3  }
0xe4: {  	v7 =	vmov s3  }
0xe5: {  	vm1 =	vgt.s32 v7, v2;
	v6 =	vsub.s32 v6, v1  }
0xe6: {  	v6 =	vnsel vm1, $0x0, v6;
	_ =	sdelay $0x3  }
0xe7: {  	v5 =	vld.idx.msk [tilespmem:v5+s14+$0x0 ss:$0x1], $0xffff  }
0xe8: {  	v6 =	vld.idx.msk [tilespmem:v6+s22+$0x0], vm1;
	_ =	sdelay $0x3  }
0xe9: {  	v5 =	vsel vm1, v5, v4  }
0xea: {  	[tilespmem:s14+$0x8220] =	vst v5;
	v5 =	vsel vm1, v6, v3  }
0xeb: {  	[tilespmem:s14+$0x1FCB8] =	vst v5  }
0xec: {  	[tilespmem:s18], [sflag:$0x3] =	stream.indirect.gather [hbm4b:s5+s23], $0x20, s24, s23, $0xb8;
	[tilespmem:$0x1FD38] =	vst v63  }
0xed: {  	s16 =	sadd.s32 $0x1, s16;
	_ =	swait.ge [sflag:s25], $0x1000  }
0xee: {  	p3 =	seq.s32 s16, s0;
	[sflag:s25] =	ssyncset.done $0x0  }
.Ltmp12:
0xef: {  	[sflag:s25] =	ssyncadd.s32 $0xFFFFF000;
	(pc) =	sbr.rel @!p3 .LBB2_16-.Ltmp12, $4  }
0xf0: {  	[hbm4b:s8+s23] =	stream.indirect.scatter [tilespmem:s18], [sflag:$0x4], $0x20, s26, s23, $0xb8;
	[tilespmem:$0x1FD38] =	vst v63  }
0xf1: {  	_ =	swait.ge [sflag:s28], $0x1000  }
0xf2: {  	s17 =	sadd.s32 $0x80, s17;
	[sflag:s28] =	ssyncset.done $0x0  }
0xf3: {  	s11 =	sadd.s32 $0x80, s11;
	s13 =	sadd.s32 $0xFFFFFF80, s13;
	[sflag:s28] =	ssyncadd.s32 $0xFFFFF000  }
.LBB2_19:
.Ltmp13:
0xf4: {  	(pc) =	sbr.rel @p2 .LBB2_26-.Ltmp13, $2  }
0xf5: {  	_ =	sdelay $0x2  }
0xf6: {  	s11 =	simm.s32 $0x0  }
0xf7: {  	p3 =	sne.s32 s31, $0x1  }
.Ltmp14:
0xf8: {  	_ = 	snop;
	(pc) =	sbr.rel @!p3 .LBB2_21-.Ltmp14, $3  }
0xf9: {  	_ =	sdelay $0x1  }
0xfa: {  	s3 =	simm.s32 $0x0;
	s11 =	simm.s32 $0x4210  }
0xfb: {  	s0 =	simm.s32 $0x200;
	p2 =	por $0x0, $0x0;
	v3 =	vld [tilespmem:s11+$0x0];
	s11 =	sadd.s32 $0xFFFFFFFF, s31  }
0xfc: {  	_ =	sdelay $0x2  }
0xfd: {  	v4 =	vmov s30  }
0xfe: {  	vm1 =	vgt.s32 v4, v2;
	v4 =	vsub.s32 v3, v1  }
0xff: {  	v4 =	vnsel vm1, $0x0, v4;
	_ =	sdelay $0x3  }
0x100: {  	v5 =	vld [tilespmem:s0+$0x0]  }
0x101: {  	v4 =	vld.idx.msk [tilespmem:v4+s22+$0x0], vm1;
	_ =	sdelay $0x4  }
0x102: {  	vm2 =	veq.s32 v4, v5  }
0x103: {  	vm1 =	vmand vm1, vm2  }
0x104: {  	v4 =	vmpcnt.ones.xlane vm1  }
0x105: {  	p3 =	sne.s32 s11, $0x1  }
.Ltmp15:
0x106: {  	v4 =	vxor.u32 $0x80000000, v4;
	(pc) =	sbr.rel @!p3 .LBB2_23-.Ltmp15, $4  }
0x107: {  	(xrf0) =	vmax.scan.msk.u32 $0xffff, v4  }
0x108: {  	[tilespmem:s3+$0x200] =	vst.msk vm1, v5  }
0x109: {  	s31 =	simm.s32 $0x4220;
	s12 =	sadd.s32 $0xFFFFFFFF, s11;
	p2 =	por $0x1, $0x1;
	[tilespmem:s3+$0x4210] =	vst.msk vm1, v3  }
0x10a: {  	s17 =	smov.u32 s30;
	s16 =	simm.s32 $0x200;
	s11 =	simm.s32 $0x0;
	v3 =	vld [tilespmem:s31+$0x0]  }
.LBB2_24:
0x10b: {  	p3 =	sne.s32 s12, $0x1;
	_ =	sdelay $0x1  }
0x10c: {  	s17 =	sadd.s32 $0xFFFFFFF0, s17;
	v4, _, _ =	vpop (xrf0)  }
0x10d: {  	v5 =	vmov s17;
	(v2sf) =	vpush v4, $0xF  }
0x10e: {  	vm1 =	vgt.s32 v5, v2;
	v4 =	vsub.s32 v3, v1  }
0x10f: {  	v4 =	vnsel vm1, $0x0, v4;
	_ =	sdelay $0x4  }
0x110: {  	s16 =	sadd.s32 $0x10, s16;
	v4 =	vld.idx.msk [tilespmem:v4+s22+$0x0], vm1  }
0x111: {  	v5 =	vld [tilespmem:s16+$0x0];
	_ =	sdelay $0x4  }
0x112: {  	vm2 =	veq.s32 v4, v5  }
0x113: {  	vm1 =	vmand vm1, vm2  }
0x114: {  	v4 =	vmpcnt.ones.xlane vm1;
	s13 =	spop (v2sf)  }
0x115: {  	s11 =	sadd.s32 s13, s11  }
.Ltmp16:
0x116: {  	v4 =	vxor.u32 $0x80000000, v4;
	s11 =	sadd.s32 $0x80000000, s11;
	(pc) =	sbr.rel @p3 .LBB2_24-.Ltmp16, $4  }
0x117: {  	[tilespmem:s11+$0x200] =	vst.msk vm1, v5;
	(xrf0) =	vmax.scan.msk.u32 $0xffff, v4  }
0x118: {  	[tilespmem:s11+$0x4210] =	vst.msk vm1, v3  }
0x119: {  	s31 =	sadd.s32 $0x10, s31  }
0x11a: {  	s12 =	sadd.s32 $0xFFFFFFFF, s12;
	v3 =	vld [tilespmem:s31+$0x0]  }
.LBB2_25:
0x11b: {  	_ = 	snop  }
0x11c: {  	s12 =	sadd.s32 @p2 $0xFFFFFFF0, s17  }
0x11d: {  	s30 =	smov.u32 @p2 s12  }
0x11e: {  	v4 =	vmov s30  }
0x11f: {  	vm1 =	vgt.s32 v4, v2;
	v61 =	vsub.s32 v3, v1  }
0x120: {  	v4 =	vnsel vm1, $0x0, v61;
	_ =	sdelay $0x1  }
0x121: {  	s12 =	sadd.s32 @p2 $0x10, s16  }
0x122: {  	s0 =	smov.u32 @p2 s12  }
0x123: {  	v5 =	vld [tilespmem:s0+$0x0]  }
0x124: {  	v4 =	vld.idx.msk [tilespmem:v4+s22+$0x0], vm1;
	_ =	sdelay $0x4  }
0x125: {  	vm2 =	veq.s32 v4, v5  }
0x126: {  	vm1 =	vmand vm1, vm2  }
0x127: {  	v62 =	vmpcnt.ones.xlane vm1;
	_ =	sdelay $0x1  }
0x128: {  	v4 =	vxor.u32 $0x80000000, v62  }
0x129: {  	(xrf0) =	vmax.scan.msk.u32 $0xffff, v4;
	_ =	sdelay $0x2  }
0x12a: {  	v4, _, _ =	vpop @p2 (xrf0)  }
0x12b: {  	(v2sf) =	vpush @p2 v4, $0xF;
	_ =	sdelay $0x1  }
0x12c: {  	v63, _, _ =	vpop (xrf0)  }
0x12d: {  	(v2sf) =	vpush v63, $0xF;
	_ =	sdelay $0xb  }
0x12e: {  	s0 =	spop @p2 (v2sf)  }
0x12f: {  	s0 =	sadd.s32 @p2 s0, s11  }
0x130: {  	s0 =	sadd.s32 @p2 $0x80000000, s0  }
0x131: {  	s3 =	smov.u32 @p2 s0;
	s31 =	spop (v2sf)  }
0x132: {  	[tilespmem:s3+$0x200] =	vst.msk vm1, v5;
	s0 =	sadd.s32 s31, s3  }
0x133: {  	[tilespmem:s3+$0x4210] =	vst.msk vm1, v3;
	s11 =	sadd.s32 $0x80000000, s0  }
.LBB2_26:
0x134: {  	s0 =	sadd.s32 $0x7F, s11  }
0x135: {  	s3 =	sshra.s32 s0, $0x1F  }
0x136: {  	s3 =	sshrl.u32 s3, $0x19  }
0x137: {  	s3 =	sadd.s32 s3, s0  }
0x138: {  	s12 =	sshra.s32 s3, $0x1F  }
0x139: {  	s14 =	sshra.s32 s11, $0x1F;
	s13 =	sand.u32 $0xFFFFFF80, s3;
	s12 =	sshrl.u32 s12, $0x1C  }
0x13a: {  	s14 =	sshrl.u32 s14, $0x1C;
	s12 =	sor.u32 s13, s12  }
0x13b: {  	s30 =	sadd.s32 s14, s11;
	s31 =	sadd.s32 $0xF, s12  }
0x13c: {  	s12 =	sshra.s32 s30, $0x4;
	s13 =	sshra.s32 s31, $0x4  }
0x13d: {  	p2 =	sle.s32 s13, s12  }
.Ltmp17:
0x13e: {  	_ = 	snop;
	(pc) =	sbr.rel @p2 .LBB2_29-.Ltmp17, $1  }
0x13f: {  	_ =	sdelay $0x3  }
0x140: {  	v3 =	vld [tilespmem:$0x4210]  }
0x141: {  	v4 =	vld [tilespmem:$0x200];
	_ =	sdelay $0x3  }
0x142: {  	v3 =	vnsel vm0, $0x0, v3  }
0x143: {  	(xrf0) =	vadd.scan.msk.s32 $0xffff, v3;
	v3 =	vnsel vm0, $0x0, v4  }
0x144: {  	(xrf0) =	vadd.scan.msk.s32 $0xffff, v3  }
0x145: {  	s13 =	ssub.s32 s13, s12  }
0x146: {  	p3 =	seq.s32 s13, $0x1  }
.Ltmp18:
0x147: {  	s14 =	sshll.u32 s12, $0x6;
	(pc) =	sbr.rel @p3 .LBB2_28-.Ltmp18, $4  }
0x148: {  	s14 =	sshra.s32 s14, $0x2  }
0x149: {  	s16 =	sadd.s32 $0x200, s14;
	v3, _, _ =	vpop (xrf0)  }
0x14a: {  	v7 =	vld [tilespmem:s16+$0x0];
	v4 =	vmov s11;
	s11 =	sadd.s32 $0x4210, s14;
	v5, _, _ =	vpop (xrf0)  }
0x14b: {  	s12 =	sshll.u32 s12, $0x4;
	p2 =	por $0x0, $0x0;
	s13 =	sadd.s32 $0xFFFFFFFF, s13;
	v6 =	vld [tilespmem:s11+$0x0];
	v3 =	vbroadcast v3, $0xF;
	v5 =	vbroadcast v5, $0xF  }
0x14c: {  	_ = 	snop  }
0x14d: {  	v8 =	vor.u32 s12, v2  }
0x14e: {  	p3 =	seq.s32 s13, $0x1;
	vm1 =	vlt.s32 v8, v4  }
.Ltmp19:
0x14f: {  	v7 =	vsel vm1, v7, v5;
	(pc) =	sbr.rel @p3 .LBB2_36-.Ltmp19, $4  }
0x150: {  	[tilespmem:s16+$0x0] =	vst v7;
	v6 =	vsel vm1, v6, v3  }
0x151: {  	s16 =	sadd.s32 $0x10, s16;
	[tilespmem:s11+$0x0] =	vst v6  }
0x152: {  	s11 =	sadd.s32 $0x10, s11;
	v7 =	vld [tilespmem:s16+$0x0]  }
0x153: {  	s14 =	sadd.s32 $0xFFFFFFFF, s13;
	p2 =	por $0x1, $0x1;
	s13 =	smov.u32 s12;
	v6 =	vld [tilespmem:s11+$0x0]  }
.LBB2_37:
0x154: {  	p3 =	seq.s32 s14, $0x1;
	s13 =	sadd.s32 $0x10, s13  }
0x155: {  	v8 =	vor.u32 s13, v2  }
0x156: {  	vm1 =	vlt.s32 v8, v4  }
.Ltmp20:
0x157: {  	v7 =	vsel vm1, v7, v5;
	(pc) =	sbr.rel @!p3 .LBB2_37-.Ltmp20, $4  }
0x158: {  	[tilespmem:s16+$0x0] =	vst v7;
	v6 =	vsel vm1, v6, v3  }
0x159: {  	s16 =	sadd.s32 $0x10, s16;
	[tilespmem:s11+$0x0] =	vst v6  }
0x15a: {  	s11 =	sadd.s32 $0x10, s11;
	v7 =	vld [tilespmem:s16+$0x0]  }
0x15b: {  	s14 =	sadd.s32 $0xFFFFFFFF, s14;
	v6 =	vld [tilespmem:s11+$0x0]  }
.LBB2_38:
0x15c: {  	s13 =	sadd.s32 @p2 $0x10, s13  }
0x15d: {  	s12 =	smov.u32 @p2 s13  }
0x15e: {  	v8 =	vor.u32 s12, v2  }
0x15f: {  	vm1 =	vlt.s32 v8, v4  }
0x160: {  	v4 =	vsel vm1, v7, v5  }
0x161: {  	v3 =	vsel vm1, v6, v3;
	[tilespmem:s16+$0x0] =	vst v4  }
0x162: {  	[tilespmem:s11+$0x0] =	vst v3  }
.LBB2_29:
0x163: {  	p2 =	sgt.s32 s0, $0x7F  }
.Ltmp21:
0x164: {  	_ = 	snop;
	(pc) =	sbr.rel @!p2 .LBB2_33-.Ltmp21, $2  }
0x165: {  	_ =	sdelay $0x2  }
0x166: {  	s11 =	rddreg [dreg:$0xd]  }
0x167: {  	s30 =	simm.s32 $0x4250  }
0x168: {  	v3 =	vld [tilespmem:s30+$0xFFFFFFC0];
	_ =	sdelay $0x4  }
0x169: {  	[tilespmem:$0x8220] =	vst v3  }
0x16a: {  	v3 =	vld [tilespmem:s30+$0xFFFFFFD0];
	_ =	sdelay $0x4  }
0x16b: {  	[tilespmem:$0x8230] =	vst v3  }
0x16c: {  	v3 =	vld [tilespmem:s30+$0xFFFFFFE0];
	_ =	sdelay $0x4  }
0x16d: {  	[tilespmem:$0x8240] =	vst v3  }
0x16e: {  	v3 =	vld [tilespmem:s30+$0xFFFFFFF0];
	_ =	sdelay $0x4  }
0x16f: {  	[tilespmem:$0x8250] =	vst v3  }
0x170: {  	v3 =	vld [tilespmem:s30+$0x0];
	_ =	sdelay $0x4  }
0x171: {  	[tilespmem:$0x8260] =	vst v3  }
0x172: {  	v3 =	vld [tilespmem:s30+$0x10];
	_ =	sdelay $0x4  }
0x173: {  	[tilespmem:$0x8270] =	vst v3  }
0x174: {  	v3 =	vld [tilespmem:s30+$0x20];
	_ =	sdelay $0x4  }
0x175: {  	[tilespmem:$0x8280] =	vst v3  }
0x176: {  	v3 =	vld [tilespmem:s30+$0x30];
	_ =	sdelay $0x4  }
0x177: {  	s0 =	sshra.s32 s3, $0x7;
	s3 =	simm.s32 $0x200;
	[tilespmem:$0x8290] =	vst v3  }
0x178: {  	[tilespmem:s18], [sflag:$0x3] =	stream.indirect.gather [hbm4b:s5+s23], $0x20, s3, s23, $0xb8;
	[tilespmem:$0x1FD38] =	vst v63  }
0x179: {  	p2 =	sne.s32 s0, $0x1;
	_ =	swait.ge [sflag:s25], $0x1000  }
.Ltmp22:
0x17a: {  	[sflag:s25] =	ssyncset.done $0x0;
	(pc) =	sbr.rel @!p2 .LBB2_32-.Ltmp22, $4  }
0x17b: {  	[sflag:s25] =	ssyncadd.s32 $0xFFFFF000  }
0x17c: {  	[hbm4b:s7+s23] =	stream.indirect.scatter [tilespmem:s18], [sflag:$0x4], $0x20, s26, s23, $0xb8;
	[tilespmem:$0x1FD38] =	vst v63  }
0x17d: {  	_ =	swait.ge [sflag:s28], $0x1000  }
0x17e: {  	s0 =	sadd.s32 $0xFFFFFFFF, s0;
	[sflag:s28] =	ssyncset.done $0x0  }
.LBB2_31:
0x17f: {  	[sflag:s28] =	ssyncadd.s32 $0xFFFFF000;
	s3 =	sadd.s32 $0x80, s3;
	s30 =	sadd.s32 $0x80, s30  }
0x180: {  	p2 =	sne.s32 s0, $0x1;
	s0 =	sadd.s32 $0xFFFFFFFF, s0;
	v3 =	vld [tilespmem:s30+$0xFFFFFFC0];
	_ =	sdelay $0x4  }
0x181: {  	[tilespmem:$0x8220] =	vst v3  }
0x182: {  	v3 =	vld [tilespmem:s30+$0xFFFFFFD0];
	_ =	sdelay $0x4  }
0x183: {  	[tilespmem:$0x8230] =	vst v3  }
0x184: {  	v3 =	vld [tilespmem:s30+$0xFFFFFFE0];
	_ =	sdelay $0x4  }
0x185: {  	[tilespmem:$0x8240] =	vst v3  }
0x186: {  	v3 =	vld [tilespmem:s30+$0xFFFFFFF0];
	_ =	sdelay $0x4  }
0x187: {  	[tilespmem:$0x8250] =	vst v3  }
0x188: {  	v3 =	vld [tilespmem:s30+$0x0];
	_ =	sdelay $0x4  }
0x189: {  	[tilespmem:$0x8260] =	vst v3  }
0x18a: {  	v3 =	vld [tilespmem:s30+$0x10];
	_ =	sdelay $0x4  }
0x18b: {  	[tilespmem:$0x8270] =	vst v3  }
0x18c: {  	v3 =	vld [tilespmem:s30+$0x20];
	_ =	sdelay $0x4  }
0x18d: {  	[tilespmem:$0x8280] =	vst v3  }
0x18e: {  	v3 =	vld [tilespmem:s30+$0x30];
	_ =	sdelay $0x4  }
0x18f: {  	[tilespmem:$0x8290] =	vst v3  }
0x190: {  	[tilespmem:s18], [sflag:$0x3] =	stream.indirect.gather [hbm4b:s5+s23], $0x20, s3, s23, $0xb8;
	[tilespmem:$0x1FD38] =	vst v63  }
0x191: {  	_ =	swait.ge [sflag:s25], $0x1000  }
.Ltmp23:
0x192: {  	[sflag:s25] =	ssyncset.done $0x0;
	(pc) =	sbr.rel @p2 .LBB2_31-.Ltmp23, $4  }
0x193: {  	[sflag:s25] =	ssyncadd.s32 $0xFFFFF000  }
0x194: {  	[hbm4b:s7+s23] =	stream.indirect.scatter [tilespmem:s18], [sflag:$0x4], $0x20, s26, s23, $0xb8;
	[tilespmem:$0x1FD38] =	vst v63  }
0x195: {  	_ =	swait.ge [sflag:s28], $0x1000  }
0x196: {  	[sflag:s28] =	ssyncset.done $0x0  }
.Ltmp24:
0x197: {  	_ = 	snop;
	(pc) =	sbr.rel .LBB2_32-.Ltmp24, $1  }
0x198: {  	_ =	sdelay $0x3  }
.LBB2_21:
.Ltmp25:
0x199: {  	(pc) =	sbr.rel .LBB2_25-.Ltmp25, $2  }
0x19a: {  	_ =	sdelay $0x2  }
0x19b: {  	s17 =	smov.u32 s30;
	s16 =	simm.s32 $0x200;
	s11 =	simm.s32 $0x0  }
.LBB2_28:
.Ltmp26:
0x19c: {  	(pc) =	sbr.rel .LBB2_38-.Ltmp26, $2  }
0x19d: {  	_ =	sdelay $0x2  }
0x19e: {  	s13 =	smov.u32 s12  }
.LBB2_23:
.Ltmp27:
0x19f: {  	(pc) =	sbr.rel .LBB2_25-.Ltmp27, $2  }
0x1a0: {  	_ =	sdelay $0x2  }
0x1a1: {  	s17 =	smov.u32 s30;
	s16 =	simm.s32 $0x200;
	s11 =	simm.s32 $0x0  }
.LBB2_36:
.Ltmp28:
0x1a2: {  	(pc) =	sbr.rel .LBB2_38-.Ltmp28, $2  }
0x1a3: {  	_ =	sdelay $0x2  }
0x1a4: {  	s13 =	smov.u32 s12  }
.LBB2_34:
0x1a5: {  	_ =	sfence.sel $0x180000  }
0x1a6: {  	[bflag:$0x0] =	sbarrier.arrive $0xFFFF  }
0x1a7: {  	_ =	strace $0x90000047  }
0x1a8: {  	s0 =	stileid.u32;
	[bflag:$0x2] =	sbarrier.arrive $0xFFFF  }
0x1a9: {  	p0 =	sne.s32 s0, $0x0;
	s0 =	rddreg [dreg:$0x4]  }
0x1aa: {  	s0 =	sadd.s32 @!p0 $0x100000, s0  }
0x1ab: {  	[sflag:s0] =	ssyncadd.tile.s32 @!p0 $0x1;
	_ =	shalt  }
.Lfunc_end2:
_tile_overlayer_lowered:
.L_overlay_start_2:
0x1ac: {  	(tag) =	ssettag $0x2  }
0x1ad: {  	s0 =	rddreg [dreg:$0x0];
	s2 =	stileid.u32  }
0x1ae: {  	s1 =	rddreg [dreg:$0x1];
	p0 =	sne.s32 s2, $0x0  }
0x1af: {  	s3 =	rddreg [dreg:$0x2];
	[bflag:$0x3] =	sbarrier.arrive $0xFFFF;
	s2 =	simm.s32 @!p0 $0x1C05  }
0x1b0: {  	[timem:s3], [sflag:s2] =	dma.local @!p0 [hbm:s0], s1  }
0x1b1: {  	s0 =	simm.s32 @!p0 $0x5  }
0x1b2: {  	_ =	swait.ge @!p0 [sflag:s0], s1  }
0x1b3: {  	s1 =	ssub.s32 @!p0 $0x0, s1;
	[sflag:s0] =	ssyncset.done @!p0 $0x0  }
0x1b4: {  	[sflag:s0] =	ssyncadd.s32 @!p0 s1  }
0x1b5: {  	[bflag:$0x3] =	sbarrier.arrive $0xFFFF  }
0x1b6: {  	_ =	shalt  }

// kernel: sparse-core-data-format-call.cloned.1.call-start
scs
called_computation_lowered:
.L_overlay_start_0:
0x0: {  	s2 =	sld [smem:$0x3FD9]  }
0x1: {  	s3 =	sld [smem:$0x3FFE];
	_ =	sdelay $0x1  }
0x2: {  	s1 =	srdreg.scid  }
0x3: {  	s0 =	sand.u32 $0x1, s1  }
0x4: {  	s15 =	sshll.u32 s0, $0xA;
	s2 =	sadd.s32 s3, s2  }
0x5: {  	s2 =	sadd.s32 s2, s15  }
0x6: {  	[smem:$0x3FC5] =	sst s2  }
0x7: {  	_ = 	snop  }
0x8: {  	s2 =	sld [smem:$0x3FD0];
	_ =	sdelay $0x2  }
0x9: {  	s16 =	simm.s32 $0xA;
	s4 =	simm.s32 $0x10  }
0xa: {  	[smem:s4], [sflag:s16] =	dma.local [hbm:s2], $0x1  }
0xb: {  	_ =	swait.eq [sflag:s16], $0x1  }
0xc: {  	[sflag:s16] =	ssyncset.done $0x0  }
0xd: {  	[sflag:s16] =	ssyncadd.s32 $0xFFFFFFFF  }
0xe: {  	s17 =	sld [smem:$0x11];
	(tm) =	ssettm $0x1  }
0xf: {  	s18 =	sld [smem:$0x3FFB];
	_ =	sdelay $0x3  }
0x10: {  	_ =	strace s18  }
0x11: {  	s3 =	sld [smem:$0x3FFC];
	_ =	sdelay $0x3  }
0x12: {  	_ =	strace s3  }
0x13: {  	s3 =	sld [smem:$0x3FFD];
	_ =	sdelay $0x3  }
0x14: {  	_ =	strace s3  }
0x15: {  	_ =	strace $0x8FFFFFFF  }
0x16: {  	s19 =	sld [smem:$0x3FDB];
	_ =	sdelay $0x1  }
0x17: {  	s20 =	simm.s32 $_scs_section_size  }
0x18: {  	s5 =	simm.s32 $_size__tile_overlayer_lowered;
	s6 =	simm.s32 $_tile_overlayer_lowered  }
0x19: {  	s23 =	simm.s32 $0x1BFF;
	s22 =	sshll.u32 s6, $0x1;
	s3 =	sadd.s32 s20, s19  }
0x1a: {  	s7 =	simm.s32 $0x0;
	s21 =	sshll.u32 s5, $0x1;
	s5 =	sadd.s32 s22, s3  }
0x1b: {  	[timem:s7], [sflag:s23] =	dma.local [hbm:s5], s21  }
0x1c: {  	_ =	swait.ge [sflag:s23], s21  }
0x1d: {  	s4 =	ssub.s32 $0x0, s21;
	[sflag:s23] =	ssyncset.done $0x0  }
0x1e: {  	[sflag:s23] =	ssyncadd.s32 s4;
	_ =	sdelay $0x1  }
0x1f: {  	s24 =	simm.s32 $0x1B8B  }
0x20: {  	_ =	swait.ge [sflag:s24], $0x1  }
0x21: {  	[sflag:s24] =	ssyncset.done $0x0  }
0x22: {  	s26 =	simm.s32 $0x1B8E;
	s25 =	sld [smem:$0x3FFE];
	[sflag:s24] =	ssyncadd.s32 $0xFFFFFFFF  }
0x23: {  	s27 =	simm.s32 $execute0_lowered;
	[smem:$0x3FD2] =	sst s26  }
0x24: {  	s5 =	sshll.u32 s27, $0x1;
	_ =	strace $0x80000049;
	[dreg:$0x1] =	wrdreg $0xFFFFFFFF  }
0x25: {  	s28 =	simm.s32 $_size_execute0_lowered;
	s3 =	sadd.s32 s3, s5;
	[dreg:$0x0] =	wrdreg $0x0  }
0x26: {  	s5 =	sshll.u32 s28, $0x1;
	[dreg:$0x2] =	wrdreg s3  }
0x27: {  	[dreg:$0x3] =	wrdreg s5  }
0x28: {  	[dreg:$0x4] =	wrdreg $0xC0  }
0x29: {  	_ =	task [dreg:s7], $0x5FFFF  }
0x2a: {  	[dreg:$0x1] =	wrdreg $0xFFFFFFFF  }
0x2b: {  	[dreg:$0x0] =	wrdreg $0x60  }
0x2c: {  	[dreg:$0x2] =	wrdreg s25  }
0x2d: {  	[dreg:$0x3] =	wrdreg s17  }
0x2e: {  	[dreg:$0x4] =	wrdreg $0x9  }
0x2f: {  	_ =	task.clear_ibuf [dreg:s7], $0x5FFFF;
	_ =	strace $0x90000049  }
0x30: {  	s29 =	simm.s32 $0x9;
	_ =	strace $0x8000004B  }
0x31: {  	_ =	swait.ge [sflag:s29], $0x1  }
0x32: {  	[sflag:s29] =	ssyncadd.s32 $0xFFFFFFFF  }
0x33: {  	_ =	strace $0x9000004B  }
0x34: {  	_ =	sfence  }
0x35: {  	s30 =	sld [smem:$0x0];
	_ =	sdelay $0x2  }
0x36: {  	s31 =	sshll.u32 s1, $0xD;
	s1 =	sshrl.u32 s1, $0x2  }
0x37: {  	s3 =	sand.u32 $0x4000, s31;
	s1 =	sadd.s32 s1, s30  }
0x38: {  	s0 =	sor.u32 s3, s0;
	s1 =	sshll.u32 s1, $0x11  }
0x39: {  	s0 =	sor.u32 s1, s0  }
0x3a: {  	s0 =	sadd.s32 $0x8F2B, s0  }
0x3b: {  	[sflag:s0] =	ssyncadd.remote.s32 $0x1  }
0x3c: {  	_ =	sfence.sel $0xFFFF  }
0x3d: {  	[dreg:$0x0] =	wrdreg $0xFFFFFFFF;
	(pc) =	sbr.abs _section_cstart, $3  }
0x3e: {  	[dreg:$0x1] =	wrdreg $0xFFFFFFFF  }
0x3f: {  	_ =	task.clear_ibuf [dreg:s7], $0x2FFFF;
	_ =	strace $0x9FFFFFFF  }
0x40: {  	(tm) =	ssettm $0x7FFFFFFF  }
0x41: {  	_ =	shalt  }
tec
execute0_lowered:
.L_overlay_start_1:
0x0: {  	(tag) =	ssettag $0x1  }
0x1: {  	s4 =	rddreg [dreg:$0x0]  }
0x2: {  	s0 =	srdreg.scid;
	s2 =	rddreg [dreg:$0x1]  }
0x3: {  	s1 =	stileid.u32;
	s5 =	simm.s32 $0x1;
	s0 =	sshll.u32 s0, $0x4  }
0x4: {  	s7 =	simm.s32 $0x2;
	s11 =	simm.s32 $0x0;
	s3 =	sand.u32 $0x10, s0  }
.Ltmp0:
0x5: {  	p0 =	por $0x0, $0x0;
	s3 =	sor.u32 s1, s3;
	(pc) =	sbr.rel .LBB1_1-.Ltmp0, $4  }
0x6: {  	s8 =	simm.s32 $0x7A1400;
	s10 =	simm.s32 $0x0;
	s3 =	sshll.u32 s3, $0x7  }
0x7: {  	s0 =	rddreg [dreg:$0x2];
	_ =	strace $0x8000004A;
	s6 =	ssub.s32 $0xF4200, s3  }
0x8: {  	s4 =	sadd.s32 $0x3E1A00, s4;
	[sflag:s5] =	ssyncpa.u1 $0x0;
	s6 =	sshrl.u32 s6, $0xC  }
0x9: {  	[sflag:s7] =	ssyncpa.u1 $0x0;
	s9 =	smov.u32 s3;
	s7 =	sadd.s32 $0x2, s6  }
.LBB1_5:
0xa: {  	s13 =	sadd.s32 $0x1000, s9  }
0xb: {  	p2 =	sgt.s32 s13, $0xF423F  }
0xc: {  	s13 =	smov.u32 @p2 s3;
	p2 =	sne.s32 s10, s7  }
.Ltmp1:
0xd: {  	p1 =	slt.u32 s10, $0x2;
	(pc) =	sbr.rel @!p2 .LBB1_6-.Ltmp1, $4  }
0xe: {  	s12 =	simm.s32 @!p1 $0x2  }
0xf: {  	s14 =	sadd.s32 $0x1, s10;
	_ =	swait.ge @!p1 [sflag:s12], $0x1000  }
0x10: {  	s11 =	smov.u32 s9;
	p0 =	por !p0, !p0;
	[sflag:s12] =	ssyncset.done @!p1 $0x0  }
0x11: {  	s10 =	smov.u32 s14;
	s9 =	smov.u32 s13;
	[sflag:s12] =	ssyncadd.s32 @!p1 $0xFFFFF000  }
.LBB1_1:
0x12: {  	p1 =	sgt.u32 s10, s6  }
0x13: {  	s13 =	smov.u32 s9;
	p2 =	sgt.s32 @!p1 s9, $0xF41C0  }
0x14: {  	s12 =	sand.u32 @!p1 $0x1FFFFFF, s9;
	s14 =	sshra.s32 @!p1 s9, $0x1F;
	p2 =	por !p2, p1  }
0x15: {  	s15 =	smulhi.u32 @!p1 $0x218DEF5, s12;
	s14 =	sand.u32 @!p1 s14, s9;
	s13 =	simm.s32 @p2 $0xF41C0  }
0x16: {  	s13 =	ssub.s32 @!p1 s13, s14  }
0x17: {  	s14 =	sshrl.u32 @!p1 s15, $0xD;
	s13 =	sadd.s32 @!p1 $0xFFF0BE40, s13  }
0x18: {  	s15 =	sxor.u32 @!p1 $0xFFFFFFFF, s10;
	s14 =	smul.u32 @!p1 $0xF4240, s14;
	s16 =	sshll.u32 @!p1 s13, $0x7  }
0x19: {  	s15 =	sshll.u32 @!p1 s15, $0xC;
	p2 =	sgt.s32 @!p1 s13, $0x7F;
	s13 =	ssub.s32 @!p1 $0x4000, s16  }
0x1a: {  	s12 =	ssub.s32 @!p1 s12, s14;
	p2 =	por !p2, p1;
	s14 =	sand.u32 @!p1 $0x1000, s15  }
0x1b: {  	s15 =	simm.s32 @!p1 $0x20;
	s13 =	sshrl.u32 @!p1 s13, $0x2;
	s12 =	sshll.u32 @!p1 s12, $0x4  }
0x1c: {  	s16 =	simm.s32 @!p1 $0x80;
	s13 =	simm.s32 @!p2 $0x0;
	s12 =	sadd.s32 @!p1 s4, s12  }
0x1d: {  	[tilespmem:s14], [sflag:$0x1] =	stream.strided.gather @!p1 [hbm4b:s12+s15], s13, s16, s15, $0x38;
	[tilespmem:$0x4040] =	vst v63  }
0x1e: {  	p1 =	seq.s32 s10, $0x0  }
0x1f: {  	p2 =	sge.u32 @!p1 s10, s7  }
0x20: {  	p1 =	por p1, p2  }
.Ltmp2:
0x21: {  	_ = 	snop;
	(pc) =	sbr.rel @p1 .LBB1_5-.Ltmp2, $1  }
0x22: {  	_ =	sdelay $0x3  }
0x23: {  	p1 =	sgt.s32 s11, $0xF41C0;
	s12 =	smov.u32 s11;
	s13 =	sshra.s32 s11, $0x1F  }
0x24: {  	s12 =	simm.s32 @!p1 $0xF41C0;
	s13 =	sand.u32 s13, s11  }
0x25: {  	s12 =	ssub.s32 s12, s13  }
0x26: {  	s12 =	sadd.s32 $0xFFF0BE40, s12  }
0x27: {  	s28 =	sshll.u32 s12, $0x7  }
0x28: {  	s13 =	ssub.s32 $0x4000, s28  }
0x29: {  	p1 =	sgt.s32 s12, $0x7F;
	s12 =	sshrl.u32 s13, $0x2  }
0x2a: {  	s13 =	simm.s32 $0x1;
	s12 =	simm.s32 @p1 $0x0  }
0x2b: {  	s13 =	simm.s32 @!p0 $0x0;
	_ =	swait.ge [sflag:s5], s12  }
0x2c: {  	s14 =	sshll.u32 s13, $0xC;
	s12 =	ssub.s32 $0x0, s12;
	[sflag:s5] =	ssyncset.done $0x0  }
0x2d: {  	s16 =	sor.u32 $0x10, s14;
	[sflag:s5] =	ssyncadd.s32 s12  }
0x2e: {  	s29 =	smul.u32 $0x4080, s13;
	v1 =	vld [tilespmem:s16+$0x0]  }
0x2f: {  	s30 =	sand.u32 $0x1, s10;
	v0 =	vld [tilespmem:s16+$0xFFFFFFF0]  }
0x30: {  	s13 =	smul.u32 $0x4080, s30;
	s12 =	sshrl.u32 s29, $0x2  }
0x31: {  	s14 =	sor.u32 $0x2000, s12  }
0x32: {  	s31 =	sshrl.u32 s13, $0x2;
	s13 =	sadd.s32 $0x0, s14  }
0x33: {  	s15 =	simm.s32 $0x4;
	s12 =	sor.u32 $0x2000, s31;
	s16 =	sadd.s32 $0x20, s16;
	[tilespmem:s13+$0x810 ss:$0x81] =	vst.msk $0xffff, v1  }
.LBB1_3:
0x34: {  	v1 =	vld [tilespmem:s16+$0x0];
	p1 =	sne.s32 s15, $0x1FC;
	[tilespmem:s13+$0x0 ss:$0x81] =	vst.msk $0xffff, v0;
	s13 =	smov.u32 s15;
	s15 =	sadd.s32 $0x4, s15  }
.Ltmp3:
0x35: {  	v0 =	vld [tilespmem:s16+$0xFFFFFFF0];
	(pc) =	sbr.rel @p1 .LBB1_3-.Ltmp3, $4  }
0x36: {  	_ = 	snop  }
0x37: {  	s13 =	sshra.s32 s13, $0x2  }
0x38: {  	s13 =	sadd.s32 s13, s14  }
0x39: {  	s16 =	sadd.s32 $0x20, s16;
	[tilespmem:s13+$0x810 ss:$0x81] =	vst.msk $0xffff, v1  }
0x3a: {  	s14 =	sshll.u32 s11, $0x3  }
0x3b: {  	s30 =	sand.u32 $0x7F, s11;
	s14 =	sand.u32 $0xFFFFFC00, s14  }
0x3c: {  	s11 =	sor.u32 s30, s14  }
0x3d: {  	s15 =	smulhi.u32 $0x218D6287, s11;
	_ =	sdelay $0x1  }
0x3e: {  	s14 =	smulhi.u32 $0x218D6287, s14;
	s15 =	sshrl.u32 s15, $0x11  }
0x3f: {  	s15 =	smul.u32 $0xF4280, s15  }
0x40: {  	s14 =	sshrl.u32 s14, $0x11  }
.Ltmp4:
0x41: {  	s14 =	sand.u32 $0x1F, s14;
	s11 =	ssub.s32 s11, s15;
	(pc) =	sbr.rel .LBB1_5-.Ltmp4, $4  }
0x42: {  	s14 =	smul.u32 $0x1E850, s14;
	s15 =	sshrl.u32 s11, $0x3;
	s11 =	sand.u32 $0x7, s11  }
0x43: {  	s15 =	sadd.s32 s2, s15;
	s11 =	sshll.u32 s11, $0x12  }
0x44: {  	[tilespmem:s13+$0x0 ss:$0x81] =	vst.msk $0xffff, v0;
	s31 =	sadd.s32 s14, s15;
	s11 =	sor.u32 $0x400, s11  }
0x45: {  	[hbm4b:s31+s11] =	stream.strided.scatter [tilespmem:s12], [sflag:$0x2], $0x1000, s8, s11, $0x20;
	[tilespmem:$0x4040] =	vst v63  }
.LBB1_6:
0x46: {  	_ =	sfence.sel $0x180000  }
0x47: {  	s2 =	simm.s32 $0x1;
	[bflag:$0x0] =	sbarrier.arrive $0xFFFF  }
0x48: {  	s31 =	simm.s32 $0x2;
	[sflag:s2] =	ssyncpa.u1 $0x1  }
0x49: {  	[sflag:s31] =	ssyncpa.u1 $0x1  }
0x4a: {  	p0 =	sne.s32 s1, $0x0;
	_ =	strace $0x9000004A  }
0x4b: {  	s0 =	sadd.s32 @!p0 $0x100000, s0;
	[bflag:$0x2] =	sbarrier.arrive $0xFFFF  }
0x4c: {  	[sflag:s0] =	ssyncadd.tile.s32 @!p0 $0x1;
	_ =	shalt  }
.Lfunc_end1:
_tile_overlayer_lowered:
.L_overlay_start_2:
0x4d: {  	(tag) =	ssettag $0x2  }
0x4e: {  	s0 =	rddreg [dreg:$0x0];
	s2 =	stileid.u32  }
0x4f: {  	s1 =	rddreg [dreg:$0x1];
	p0 =	sne.s32 s2, $0x0  }
0x50: {  	s3 =	rddreg [dreg:$0x2];
	[bflag:$0x3] =	sbarrier.arrive $0xFFFF;
	s2 =	simm.s32 @!p0 $0x1C01  }
0x51: {  	[timem:s3], [sflag:s2] =	dma.local @!p0 [hbm:s0], s1  }
0x52: {  	s0 =	simm.s32 @!p0 $0x1  }
0x53: {  	_ =	swait.ge @!p0 [sflag:s0], s1  }
0x54: {  	s1 =	ssub.s32 @!p0 $0x0, s1;
	[sflag:s0] =	ssyncset.done @!p0 $0x0  }
0x55: {  	[sflag:s0] =	ssyncadd.s32 @!p0 s1  }
0x56: {  	[bflag:$0x3] =	sbarrier.arrive $0xFFFF  }
0x57: {  	_ =	shalt  }

</sc_bundles>
